<compile_context>
chip_gen: v7x
topology: tpu7x:2x2x1
jax: 0.10.2.dev20260603
libtpu: 0.0.44.dev20260713+nightly
codegen_flags: <defaults>
</compile_context>

<pallas_src>
import functools

import jax
import jax.numpy as jnp
from jax import lax
from jax.experimental import pallas as pl
from jax.experimental.pallas import tpu as pltpu
from jax.experimental.pallas import tpu_sc as plsc

N = 10000
E = 320000
D = 128
H = 128
C = 64
NPAD = 10240
BN = 1024

ECH = 3200
NCH = E // ECH
GP = ECH // 16
UNROLL = 8
RPT = 4
RNODE = NPAD // 32


def _matmul_T(W, xT):
    return lax.dot_general(W, xT, (((1,), (0,)), ((), ())),
                           preferred_element_type=jnp.float32,
                           precision=lax.Precision.HIGHEST)


def _tc_pre_body(xT_ref, Ws_ref, qT_ref):
    qT_ref[...] = _matmul_T(Ws_ref[...], xT_ref[...])


def _tc_pre(xT, Ws):
    return pl.pallas_call(
        _tc_pre_body,
        grid=(NPAD // BN,),
        in_specs=[
            pl.BlockSpec((128, BN), lambda i: (0, i)),
            pl.BlockSpec((128, 128), lambda i: (0, 0)),
        ],
        out_specs=pl.BlockSpec((128, BN), lambda i: (0, i)),
        out_shape=jax.ShapeDtypeStruct((128, NPAD), jnp.float32),
    )(xT, Ws)


def _tc_mid_body(hT_ref, S_ref, M_ref, cnt_ref, Wstk_ref, bstk_ref, h1T_ref, qT2_ref):
    hT = hT_ref[...]
    S = S_ref[...]
    M = M_ref[...]
    cnt = cnt_ref[...]
    Wd, Wx, Wm, Wmx, Ws2, linW, Wsnext = (Wstk_ref[i] for i in range(7))
    pre_b, post_b, lin_b = (bstk_ref[i][:, None] for i in range(3))
    aT = _matmul_T(Wd, hT) + pre_b
    inv = 1.0 / jnp.maximum(cnt, 1.0)
    meanT = aT + S * inv
    ssumT = cnt * aT + S
    smaxT = jnp.where(cnt > 0, aT + M, 0.0)
    postT = (_matmul_T(Wx, hT) + _matmul_T(Wm, meanT)
             + _matmul_T(Wmx, smaxT) + _matmul_T(Ws2, ssumT) + post_b)
    h1T = jax.nn.relu(_matmul_T(linW, postT) + lin_b)
    h1T_ref[...] = h1T
    qT2_ref[...] = _matmul_T(Wsnext, h1T)


def _tc_mid(hT, S, M, cnt2d, Wstk, bstk):
    return pl.pallas_call(
        _tc_mid_body,
        grid=(NPAD // BN,),
        in_specs=[
            pl.BlockSpec((128, BN), lambda i: (0, i)),
            pl.BlockSpec((128, BN), lambda i: (0, i)),
            pl.BlockSpec((128, BN), lambda i: (0, i)),
            pl.BlockSpec((1, BN), lambda i: (0, i)),
            pl.BlockSpec((7, 128, 128), lambda i: (0, 0, 0)),
            pl.BlockSpec((3, 128), lambda i: (0, 0)),
        ],
        out_specs=[
            pl.BlockSpec((128, BN), lambda i: (0, i)),
            pl.BlockSpec((128, BN), lambda i: (0, i)),
        ],
        out_shape=[
            jax.ShapeDtypeStruct((128, NPAD), jnp.float32),
            jax.ShapeDtypeStruct((128, NPAD), jnp.float32),
        ],
    )(hT, S, M, cnt2d, Wstk, bstk)


def _tc_fin_body(hT_ref, S_ref, M_ref, cnt_ref, Wstk_ref, bstk_ref, Wout_ref, zT_ref):
    hT = hT_ref[...]
    S = S_ref[...]
    M = M_ref[...]
    cnt = cnt_ref[...]
    Wd, Wx, Wm, Wmx, Ws2, linW = (Wstk_ref[i] for i in range(6))
    pre_b, post_b, lin_b = (bstk_ref[i][:, None] for i in range(3))
    aT = _matmul_T(Wd, hT) + pre_b
    inv = 1.0 / jnp.maximum(cnt, 1.0)
    meanT = aT + S * inv
    ssumT = cnt * aT + S
    smaxT = jnp.where(cnt > 0, aT + M, 0.0)
    postT = (_matmul_T(Wx, hT) + _matmul_T(Wm, meanT)
             + _matmul_T(Wmx, smaxT) + _matmul_T(Ws2, ssumT) + post_b)
    h2T = jax.nn.relu(_matmul_T(linW, postT) + lin_b)
    zT_ref[...] = lax.dot_general(Wout_ref[...], h2T, (((1,), (0,)), ((), ())),
                                  preferred_element_type=jnp.float32,
                                  precision=lax.Precision.HIGHEST)


def _tc_fin(hT, S, M, cnt2d, Wstk, bstk, Wout):
    return pl.pallas_call(
        _tc_fin_body,
        grid=(NPAD // BN,),
        in_specs=[
            pl.BlockSpec((128, BN), lambda i: (0, i)),
            pl.BlockSpec((128, BN), lambda i: (0, i)),
            pl.BlockSpec((128, BN), lambda i: (0, i)),
            pl.BlockSpec((1, BN), lambda i: (0, i)),
            pl.BlockSpec((6, 128, 128), lambda i: (0, 0, 0)),
            pl.BlockSpec((3, 128), lambda i: (0, 0)),
            pl.BlockSpec((C, 128), lambda i: (0, 0)),
        ],
        out_specs=pl.BlockSpec((C, BN), lambda i: (0, i)),
        out_shape=jax.ShapeDtypeStruct((C, NPAD), jnp.float32),
    )(hT, S, M, cnt2d, Wstk, bstk, Wout)


def _make_sc_body(with_cnt):
    def _sc_body(src_hbm, dst_hbm, qT_hbm, S_hbm, M_hbm, cnt_hbm,
                 q_v, s0, s1, s2, s3, m0, m1v, m2v, m3, cnt_v, src_v, dst_v):
        sums = [s0, s1, s2, s3]
        maxs = [m0, m1v, m2v, m3]
        c = lax.axis_index("c")
        s = lax.axis_index("s")
        wid = s * 2 + c
        rbase = wid * RPT
        nbase = wid * RNODE

        pltpu.sync_copy(qT_hbm.at[pl.ds(rbase, RPT), :], q_v)

        zeros16 = jnp.zeros((16,), jnp.float32)
        ninf16 = jnp.full((16,), -3.0e38, jnp.float32)
        iota16 = lax.iota(jnp.int32, 16)
        ones16 = jnp.ones((16,), jnp.float32)
        false16 = jnp.zeros((16,), jnp.bool_)
        rvecs = [jnp.full((16,), r, jnp.int32) for r in range(RPT)]

        def zbody(i, carry):
            for r in range(RPT):
                sums[r][pl.ds(i * 16, 16)] = zeros16
                maxs[r][pl.ds(i * 16, 16)] = ninf16
            return carry
        lax.fori_loop(0, NPAD // 16, zbody, 0)

        if with_cnt:
            def cbody(i, carry):
                cnt_v[pl.ds(i * 16, 16)] = zeros16
                return carry
            lax.fori_loop(0, RNODE // 16, cbody, 0)

        def do_group(g, ovf):
            s16 = src_v[pl.ds(g * 16, 16)]
            d16 = dst_v[pl.ds(g * 16, 16)]
            occ, _last = plsc.scan_count(d16)
            m1 = occ == 1
            m2 = occ == 2
            ovf = ovf | (occ >= 3)
            if with_cnt:
                mine = (d16 >= nbase) & (d16 < nbase + RNODE)
                plsc.addupdate_scatter(cnt_v, [d16 - nbase], ones16, mask=mine)
            vs = []
            for r in range(RPT):
                v = plsc.load_gather(q_v, [rvecs[r], s16])
                vs.append(v)
                plsc.addupdate_scatter(sums[r], [d16], v)
                cur = plsc.load_gather(maxs[r], [d16])
                plsc.store_scatter(maxs[r], [d16],
                                   jnp.maximum(cur, v), mask=m1)

            @pl.when(jnp.any(occ >= 2))
            def _round2():
                for r in range(RPT):
                    cur2 = plsc.load_gather(maxs[r], [d16], mask=m2)
                    plsc.store_scatter(maxs[r], [d16],
                                       jnp.maximum(cur2, vs[r]), mask=m2)
            return ovf

        def chunk_body(ch, carry):
            pltpu.sync_copy(src_hbm.at[pl.ds(ch * ECH, ECH)], src_v)
            pltpu.sync_copy(dst_hbm.at[pl.ds(ch * ECH, ECH)], dst_v)

            def group_body(i, ovf):
                for u in range(UNROLL):
                    ovf = do_group(i * UNROLL + u, ovf)
                return ovf
            ovf = lax.fori_loop(0, GP // UNROLL, group_body, false16)

            @pl.when(jnp.any(ovf))
            def _fixup():
                def fg(g, carry2):
                    s16 = src_v[pl.ds(g * 16, 16)]
                    d16 = dst_v[pl.ds(g * 16, 16)]
                    for r in range(RPT):
                        v = plsc.load_gather(q_v, [rvecs[r], s16])
                        def fl(l, c3, v=v, d16=d16, r=r):
                            lm = iota16 == l
                            cur = plsc.load_gather(maxs[r], [d16], mask=lm)
                            plsc.store_scatter(maxs[r], [d16],
                                               jnp.maximum(cur, v), mask=lm)
                            return c3
                        lax.fori_loop(0, 16, fl, 0)
                    return carry2
                lax.fori_loop(0, GP, fg, 0)
            return carry
        lax.fori_loop(0, NCH, chunk_body, 0)

        for r in range(RPT):
            pltpu.sync_copy(sums[r], S_hbm.at[rbase + r, :])
            pltpu.sync_copy(maxs[r], M_hbm.at[rbase + r, :])
        if with_cnt:
            pltpu.sync_copy(cnt_v, cnt_hbm.at[pl.ds(nbase, RNODE)])
    return _sc_body


@functools.partial(jax.jit, static_argnames=("with_cnt",))
def _sc_segment(src, dst, qT, with_cnt=True):
    mesh = plsc.VectorSubcoreMesh(core_axis_name="c", subcore_axis_name="s")
    f = pl.kernel(
        _make_sc_body(with_cnt),
        mesh=mesh,
        compiler_params=pltpu.CompilerParams(needs_layout_passes=False),
        out_type=[
            jax.ShapeDtypeStruct((128, NPAD), jnp.float32),
            jax.ShapeDtypeStruct((128, NPAD), jnp.float32),
            jax.ShapeDtypeStruct((NPAD,), jnp.float32),
        ],
        scratch_types=(
            [pltpu.VMEM((RPT, NPAD), jnp.float32)]
            + [pltpu.VMEM((NPAD,), jnp.float32) for _ in range(8)]
            + [
                pltpu.VMEM((RNODE,), jnp.float32),
                pltpu.VMEM((ECH,), jnp.int32),
                pltpu.VMEM((ECH,), jnp.int32),
            ]
        ),
    )
    return f(src, dst, qT)


def kernel(x, edge_index, pre_W1, pre_b1, post_W1, post_b1, lin_W1, lin_b1,
           pre_W2, pre_b2, post_W2, post_b2, lin_W2, lin_b2, W_out, b_out):
    src = edge_index[0]
    dst = edge_index[1]
    xT = jnp.zeros((128, NPAD), jnp.float32).at[:, :N].set(x.T)

    Wd1, Ws1 = pre_W1[:, :D], pre_W1[:, D:]
    Wx1, Wm1, Wmx1, Ws21 = (post_W1[:, 0:128], post_W1[:, 128:256],
                            post_W1[:, 256:384], post_W1[:, 384:512])
    Wd2, Ws2_ = pre_W2[:, :H], pre_W2[:, H:]
    Wx2, Wm2, Wmx2, Ws22 = (post_W2[:, 0:128], post_W2[:, 128:256],
                            post_W2[:, 256:384], post_W2[:, 384:512])

    Wstk1 = jnp.stack([Wd1, Wx1, Wm1, Wmx1, Ws21, lin_W1, Ws2_])
    bstk1 = jnp.stack([pre_b1, post_b1, lin_b1])
    Wstk2 = jnp.stack([Wd2, Wx2, Wm2, Wmx2, Ws22, lin_W2])
    bstk2 = jnp.stack([pre_b2, post_b2, lin_b2])

    qT1 = _tc_pre(xT, Ws1)
    S1, M1, cnt = _sc_segment(src, dst, qT1)
    cnt2d = cnt.reshape(1, NPAD)
    h1T, qT2 = _tc_mid(xT, S1, M1, cnt2d, Wstk1, bstk1)
    S2, M2, _ = _sc_segment(src, dst, qT2, with_cnt=False)
    zT = _tc_fin(h1T, S2, M2, cnt2d, Wstk2, bstk2, W_out)
    return zT[:, :N].T + b_out

# --- scband reference (transcript-rebuilt; emitter-appended) ---
"""Pipeline reference for scband-pna-19404662243723 (READ-ONLY COPY).

The authoritative reference and input builder live on the scoring server;
editing this copy changes nothing except your own understanding.
"""

import jax, jax.numpy as jnp
import numpy as np

N = 10000
E = 320000
D = 128
H = 128
C = 64


def setup_inputs(seed: int = 0) -> dict:
    key = jax.random.key(seed)
    ks = jax.random.split(key, 20)
    inp = {}
    inp['x'] = jax.random.normal(ks[0], (N, D), dtype=jnp.float32)
    inp['edge_index'] = jax.random.randint(ks[1], (2, E), 0, N, dtype=jnp.int32)
    s = 0.05
    # conv1 (PNAConv, towers=1, pre_layers=1, post_layers=1): F_in = D, F_out = H
    inp['pre_W1'] = jax.random.normal(ks[2], (D, 2 * D), dtype=jnp.float32) * s
    inp['pre_b1'] = jnp.zeros((D,), dtype=jnp.float32)
    inp['post_W1'] = jax.random.normal(ks[3], (H, 4 * D), dtype=jnp.float32) * s
    inp['post_b1'] = jnp.zeros((H,), dtype=jnp.float32)
    inp['lin_W1'] = jax.random.normal(ks[4], (H, H), dtype=jnp.float32) * s
    inp['lin_b1'] = jnp.zeros((H,), dtype=jnp.float32)
    # conv2: F_in = H, F_out = H
    inp['pre_W2'] = jax.random.normal(ks[5], (H, 2 * H), dtype=jnp.float32) * s
    inp['pre_b2'] = jnp.zeros((H,), dtype=jnp.float32)
    inp['post_W2'] = jax.random.normal(ks[6], (H, 4 * H), dtype=jnp.float32) * s
    inp['post_b2'] = jnp.zeros((H,), dtype=jnp.float32)
    inp['lin_W2'] = jax.random.normal(ks[7], (H, H), dtype=jnp.float32) * s
    inp['lin_b2'] = jnp.zeros((H,), dtype=jnp.float32)
    # final classifier
    inp['W_out'] = jax.random.normal(ks[8], (C, H), dtype=jnp.float32) * s
    inp['b_out'] = jnp.zeros((C,), dtype=jnp.float32)
    return inp


def _pna_conv(x, src, dst, pre_W, pre_b, post_W, post_b, lin_W, lin_b):
    n = x.shape[0]
    # message: pre_nn(cat[x_i, x_j]) with i = target (dst), j = source (src)
    h = jnp.concatenate([x[dst], x[src]], axis=-1)
    m = h @ pre_W.T + pre_b
    # aggregate over destination nodes: aggregators = ['mean', 'max', 'sum'], scaler = identity
    ssum = jax.ops.segment_sum(m, dst, num_segments=n)
    cnt = jax.ops.segment_sum(jnp.ones((m.shape[0], 1), dtype=m.dtype), dst, num_segments=n)
    mean = ssum / jnp.maximum(cnt, 1.0)
    mx = jax.ops.segment_max(m, dst, num_segments=n)
    mx = jnp.where(cnt > 0, mx, 0.0)
    aggr = jnp.concatenate([mean, mx, ssum], axis=-1)
    # update: post_nn(cat[x_i, aggr]) then tower-mixing linear
    out = jnp.concatenate([x, aggr], axis=-1)
    out = out @ post_W.T + post_b
    return out @ lin_W.T + lin_b


def reference(x, edge_index, pre_W1, pre_b1, post_W1, post_b1, lin_W1, lin_b1, pre_W2, pre_b2, post_W2, post_b2, lin_W2, lin_b2, W_out, b_out):
    src = edge_index[0]
    dst = edge_index[1]
    h = jax.nn.relu(_pna_conv(x, src, dst, pre_W1, pre_b1, post_W1, post_b1, lin_W1, lin_b1))
    h = jax.nn.relu(_pna_conv(h, src, dst, pre_W2, pre_b2, post_W2, post_b2, lin_W2, lin_b2))
    return h @ W_out.T + b_out

if __name__ == "__main__":
    import jax
    _d = setup_inputs()
    print(jax.jit(kernel)(*tuple(_d.values())))

</pallas_src>

<mosaic_0001>
#map = affine_map<(d0, d1) -> (0)>
#map1 = affine_map<(d0, d1) -> (0, 0)>
module attributes {stable_mosaic.version = 14 : i64} {
  func.func @_sc_body(%arg0: i32, %arg1: i32, %arg2: memref<320000xi32, #tpu.memory_space<hbm>>, %arg3: memref<320000xi32, #tpu.memory_space<hbm>>, %arg4: memref<128x10240xf32, #tpu.memory_space<hbm>>, %arg5: memref<128x10240xf32, #tpu.memory_space<hbm>>, %arg6: memref<128x10240xf32, #tpu.memory_space<hbm>>, %arg7: memref<10240xf32, #tpu.memory_space<hbm>>, %arg8: memref<4x10240xf32, #tpu.memory_space<vmem>>, %arg9: memref<10240xf32, #tpu.memory_space<vmem>>, %arg10: memref<10240xf32, #tpu.memory_space<vmem>>, %arg11: memref<10240xf32, #tpu.memory_space<vmem>>, %arg12: memref<10240xf32, #tpu.memory_space<vmem>>, %arg13: memref<10240xf32, #tpu.memory_space<vmem>>, %arg14: memref<10240xf32, #tpu.memory_space<vmem>>, %arg15: memref<10240xf32, #tpu.memory_space<vmem>>, %arg16: memref<10240xf32, #tpu.memory_space<vmem>>, %arg17: memref<320xf32, #tpu.memory_space<vmem>>, %arg18: memref<3200xi32, #tpu.memory_space<vmem>>, %arg19: memref<3200xi32, #tpu.memory_space<vmem>>) attributes {dimension_semantics = [#tpu.dimension_semantics<core_parallel>, #tpu.dimension_semantics<subcore_parallel>], iteration_bounds = array<i64: 2, 16>, scalar_prefetch = 0 : i64, scratch_operands = 12 : i64, tpu.core_type = #tpu.core_type<sc_vector_subcore>, window_params = [{transform_indices = #map}, {transform_indices = #map}, {transform_indices = #map1}, {transform_indices = #map1}, {transform_indices = #map1}, {transform_indices = #map}]} {
    %mul3A = arith.constant 2 : i32
    %mul3A_0 = arith.muli %arg1, %mul3A : i32
    %add3A = arith.addi %mul3A_0, %arg0 : i32
    %mul3A_1 = arith.constant 4 : i32
    %mul3A_2 = arith.muli %add3A, %mul3A_1 : i32
    %mul3A_3 = arith.constant 320 : i32
    %mul3A_4 = arith.muli %add3A, %mul3A_3 : i32
    "tpu.region"() ({
      %run_scoped3A = tpu.sem_alloc : memref<!tpu.dma_semaphore, #tpu.memory_space<semaphore_mem>>
      %dma_start3A = arith.constant 0 : i32
      %dma_start3A_53 = tpu.memref_slice %arg4[%mul3A_2, %dma_start3A] : memref<128x10240xf32, #tpu.memory_space<hbm>> -> memref<4x10240xf32, #tpu.memory_space<hbm>>
      %dma_start3A_54 = arith.constant 0 : i32
      %dma_start3A_55 = tpu.memref_slice %arg4[%mul3A_2, %dma_start3A_54] : memref<128x10240xf32, #tpu.memory_space<hbm>> -> memref<4x10240xf32, #tpu.memory_space<hbm>>
      tpu.enqueue_dma source(%dma_start3A_55 : memref<4x10240xf32, #tpu.memory_space<hbm>>) target(%arg8 : memref<4x10240xf32, #tpu.memory_space<vmem>>) target_semaphore(%run_scoped3A : memref<!tpu.dma_semaphore, #tpu.memory_space<semaphore_mem>>)
      %dma_wait3A = arith.constant 0 : i32
      %dma_wait3A_56 = tpu.memref_slice %arg4[%mul3A_2, %dma_wait3A] : memref<128x10240xf32, #tpu.memory_space<hbm>> -> memref<4x10240xf32, #tpu.memory_space<hbm>>
      %dma_wait3A_57 = arith.constant 0 : i32
      %dma_wait3A_58 = tpu.memref_slice %arg4[%mul3A_2, %dma_wait3A_57] : memref<128x10240xf32, #tpu.memory_space<hbm>> -> memref<4x10240xf32, #tpu.memory_space<hbm>>
      tpu.wait_dma2 semaphore(%run_scoped3A : memref<!tpu.dma_semaphore, #tpu.memory_space<semaphore_mem>>) src(%dma_wait3A_58 : memref<4x10240xf32, #tpu.memory_space<hbm>>) dst(%arg8 : memref<4x10240xf32, #tpu.memory_space<vmem>>)
      tpu.yield
    }) : () -> ()
    %broadcast_in_dim3A = arith.constant 0.000000e+00 : f32
    %broadcast_in_dim3A_5 = vector.broadcast %broadcast_in_dim3A : f32 to vector<16xf32>
    %broadcast_in_dim3A_6 = arith.constant -3.000000e+38 : f32
    %broadcast_in_dim3A_7 = vector.broadcast %broadcast_in_dim3A_6 : f32 to vector<16xf32>
    %iota3A = tpu.iota {dimensions = array<i32: 0>} : vector<16xi32>
    %broadcast_in_dim3A_8 = arith.constant 1.000000e+00 : f32
    %broadcast_in_dim3A_9 = vector.broadcast %broadcast_in_dim3A_8 : f32 to vector<16xf32>
    %broadcast_in_dim3A_10 = arith.constant false
    %broadcast_in_dim3A_11 = vector.broadcast %broadcast_in_dim3A_10 : i1 to vector<16xi1>
    %broadcast_in_dim3A_12 = arith.constant 0 : i32
    %broadcast_in_dim3A_13 = vector.broadcast %broadcast_in_dim3A_12 : i32 to vector<16xi32>
    %broadcast_in_dim3A_14 = arith.constant 1 : i32
    %broadcast_in_dim3A_15 = vector.broadcast %broadcast_in_dim3A_14 : i32 to vector<16xi32>
    %broadcast_in_dim3A_16 = arith.constant 2 : i32
    %broadcast_in_dim3A_17 = vector.broadcast %broadcast_in_dim3A_16 : i32 to vector<16xi32>
    %broadcast_in_dim3A_18 = arith.constant 3 : i32
    %broadcast_in_dim3A_19 = vector.broadcast %broadcast_in_dim3A_18 : i32 to vector<16xi32>
    %scan3A = arith.constant 0 : i32
    %scan3A_20 = arith.constant 0 : i32
    %scan3A_21 = arith.constant 640 : i32
    %scan3A_22 = arith.addi %scan3A_20, %scan3A_21 : i32
    %scan3A_23 = arith.constant 1 : i32
    scf.for %scan3A_53 = %scan3A_20 to %scan3A_22 step %scan3A_23  : i32 {
      %mul3A_54 = arith.constant 16 : i32
      %mul3A_55 = arith.muli %scan3A_53, %mul3A_54 : i32
      %swap3A = arith.index_cast %mul3A_55 : i32 to index
      %swap3A_56 = tpu.vector_load %arg9[%swap3A] {strides = array<i32>} : memref<10240xf32, #tpu.memory_space<vmem>>, vector<16xf32>,
      tpu.vector_store %arg9[%swap3A], %broadcast_in_dim3A_5 {strides = array<i32>} : memref<10240xf32, #tpu.memory_space<vmem>>, vector<16xf32>,
      %mul3A_57 = arith.constant 16 : i32
      %mul3A_58 = arith.muli %scan3A_53, %mul3A_57 : i32
      %swap3A_59 = arith.index_cast %mul3A_58 : i32 to index
      %swap3A_60 = tpu.vector_load %arg13[%swap3A_59] {strides = array<i32>} : memref<10240xf32, #tpu.memory_space<vmem>>, vector<16xf32>,
      tpu.vector_store %arg13[%swap3A_59], %broadcast_in_dim3A_7 {strides = array<i32>} : memref<10240xf32, #tpu.memory_space<vmem>>, vector<16xf32>,
      %mul3A_61 = arith.constant 16 : i32
      %mul3A_62 = arith.muli %scan3A_53, %mul3A_61 : i32
      %swap3A_63 = arith.index_cast %mul3A_62 : i32 to index
      %swap3A_64 = tpu.vector_load %arg10[%swap3A_63] {strides = array<i32>} : memref<10240xf32, #tpu.memory_space<vmem>>, vector<16xf32>,
      tpu.vector_store %arg10[%swap3A_63], %broadcast_in_dim3A_5 {strides = array<i32>} : memref<10240xf32, #tpu.memory_space<vmem>>, vector<16xf32>,
      %mul3A_65 = arith.constant 16 : i32
      %mul3A_66 = arith.muli %scan3A_53, %mul3A_65 : i32
      %swap3A_67 = arith.index_cast %mul3A_66 : i32 to index
      %swap3A_68 = tpu.vector_load %arg14[%swap3A_67] {strides = array<i32>} : memref<10240xf32, #tpu.memory_space<vmem>>, vector<16xf32>,
      tpu.vector_store %arg14[%swap3A_67], %broadcast_in_dim3A_7 {strides = array<i32>} : memref<10240xf32, #tpu.memory_space<vmem>>, vector<16xf32>,
      %mul3A_69 = arith.constant 16 : i32
      %mul3A_70 = arith.muli %scan3A_53, %mul3A_69 : i32
      %swap3A_71 = arith.index_cast %mul3A_70 : i32 to index
      %swap3A_72 = tpu.vector_load %arg11[%swap3A_71] {strides = array<i32>} : memref<10240xf32, #tpu.memory_space<vmem>>, vector<16xf32>,
      tpu.vector_store %arg11[%swap3A_71], %broadcast_in_dim3A_5 {strides = array<i32>} : memref<10240xf32, #tpu.memory_space<vmem>>, vector<16xf32>,
      %mul3A_73 = arith.constant 16 : i32
      %mul3A_74 = arith.muli %scan3A_53, %mul3A_73 : i32
      %swap3A_75 = arith.index_cast %mul3A_74 : i32 to index
      %swap3A_76 = tpu.vector_load %arg15[%swap3A_75] {strides = array<i32>} : memref<10240xf32, #tpu.memory_space<vmem>>, vector<16xf32>,
      tpu.vector_store %arg15[%swap3A_75], %broadcast_in_dim3A_7 {strides = array<i32>} : memref<10240xf32, #tpu.memory_space<vmem>>, vector<16xf32>,
      %mul3A_77 = arith.constant 16 : i32
      %mul3A_78 = arith.muli %scan3A_53, %mul3A_77 : i32
      %swap3A_79 = arith.index_cast %mul3A_78 : i32 to index
      %swap3A_80 = tpu.vector_load %arg12[%swap3A_79] {strides = array<i32>} : memref<10240xf32, #tpu.memory_space<vmem>>, vector<16xf32>,
      tpu.vector_store %arg12[%swap3A_79], %broadcast_in_dim3A_5 {strides = array<i32>} : memref<10240xf32, #tpu.memory_space<vmem>>, vector<16xf32>,
      %mul3A_81 = arith.constant 16 : i32
      %mul3A_82 = arith.muli %scan3A_53, %mul3A_81 : i32
      %swap3A_83 = arith.index_cast %mul3A_82 : i32 to index
      %swap3A_84 = tpu.vector_load %arg16[%swap3A_83] {strides = array<i32>} : memref<10240xf32, #tpu.memory_space<vmem>>, vector<16xf32>,
      tpu.vector_store %arg16[%swap3A_83], %broadcast_in_dim3A_7 {strides = array<i32>} : memref<10240xf32, #tpu.memory_space<vmem>>, vector<16xf32>,
    }
    %scan3A_24 = arith.constant 640 : i32
    %scan3A_25 = arith.constant 0 : i32
    %scan3A_26 = arith.constant 0 : i32
    %scan3A_27 = arith.constant 20 : i32
    %scan3A_28 = arith.addi %scan3A_26, %scan3A_27 : i32
    %scan3A_29 = arith.constant 1 : i32
    scf.for %scan3A_53 = %scan3A_26 to %scan3A_28 step %scan3A_29  : i32 {
      %mul3A_54 = arith.constant 16 : i32
      %mul3A_55 = arith.muli %scan3A_53, %mul3A_54 : i32
      %swap3A = arith.index_cast %mul3A_55 : i32 to index
      %swap3A_56 = tpu.vector_load %arg17[%swap3A] {strides = array<i32>} : memref<320xf32, #tpu.memory_space<vmem>>, vector<16xf32>,
      tpu.vector_store %arg17[%swap3A], %broadcast_in_dim3A_5 {strides = array<i32>} : memref<320xf32, #tpu.memory_space<vmem>>, vector<16xf32>,
    }
    %scan3A_30 = arith.constant 20 : i32
    %scan3A_31 = arith.constant 0 : i32
    %scan3A_32 = arith.constant 0 : i32
    %scan3A_33 = arith.constant 100 : i32
    %scan3A_34 = arith.addi %scan3A_32, %scan3A_33 : i32
    %scan3A_35 = arith.constant 1 : i32
    scf.for %scan3A_53 = %scan3A_32 to %scan3A_34 step %scan3A_35  : i32 {
      %mul3A_54 = arith.constant 3200 : i32
      %mul3A_55 = arith.muli %scan3A_53, %mul3A_54 : i32
      "tpu.region"() ({
        %run_scoped3A = tpu.sem_alloc : memref<!tpu.dma_semaphore, #tpu.memory_space<semaphore_mem>>
        %dma_start3A = tpu.memref_slice %arg2[%mul3A_55] : memref<320000xi32, #tpu.memory_space<hbm>> -> memref<3200xi32, #tpu.memory_space<hbm>>
        %dma_start3A_75 = tpu.memref_slice %arg2[%mul3A_55] : memref<320000xi32, #tpu.memory_space<hbm>> -> memref<3200xi32, #tpu.memory_space<hbm>>
        tpu.enqueue_dma source(%dma_start3A_75 : memref<3200xi32, #tpu.memory_space<hbm>>) target(%arg18 : memref<3200xi32, #tpu.memory_space<vmem>>) target_semaphore(%run_scoped3A : memref<!tpu.dma_semaphore, #tpu.memory_space<semaphore_mem>>)
        %dma_wait3A = tpu.memref_slice %arg2[%mul3A_55] : memref<320000xi32, #tpu.memory_space<hbm>> -> memref<3200xi32, #tpu.memory_space<hbm>>
        %dma_wait3A_76 = tpu.memref_slice %arg2[%mul3A_55] : memref<320000xi32, #tpu.memory_space<hbm>> -> memref<3200xi32, #tpu.memory_space<hbm>>
        tpu.wait_dma2 semaphore(%run_scoped3A : memref<!tpu.dma_semaphore, #tpu.memory_space<semaphore_mem>>) src(%dma_wait3A_76 : memref<3200xi32, #tpu.memory_space<hbm>>) dst(%arg18 : memref<3200xi32, #tpu.memory_space<vmem>>)
        tpu.yield
      }) : () -> ()
      %mul3A_56 = arith.constant 3200 : i32
      %mul3A_57 = arith.muli %scan3A_53, %mul3A_56 : i32
      "tpu.region"() ({
        %run_scoped3A = tpu.sem_alloc : memref<!tpu.dma_semaphore, #tpu.memory_space<semaphore_mem>>
        %dma_start3A = tpu.memref_slice %arg3[%mul3A_57] : memref<320000xi32, #tpu.memory_space<hbm>> -> memref<3200xi32, #tpu.memory_space<hbm>>
        %dma_start3A_75 = tpu.memref_slice %arg3[%mul3A_57] : memref<320000xi32, #tpu.memory_space<hbm>> -> memref<3200xi32, #tpu.memory_space<hbm>>
        tpu.enqueue_dma source(%dma_start3A_75 : memref<3200xi32, #tpu.memory_space<hbm>>) target(%arg19 : memref<3200xi32, #tpu.memory_space<vmem>>) target_semaphore(%run_scoped3A : memref<!tpu.dma_semaphore, #tpu.memory_space<semaphore_mem>>)
        %dma_wait3A = tpu.memref_slice %arg3[%mul3A_57] : memref<320000xi32, #tpu.memory_space<hbm>> -> memref<3200xi32, #tpu.memory_space<hbm>>
        %dma_wait3A_76 = tpu.memref_slice %arg3[%mul3A_57] : memref<320000xi32, #tpu.memory_space<hbm>> -> memref<3200xi32, #tpu.memory_space<hbm>>
        tpu.wait_dma2 semaphore(%run_scoped3A : memref<!tpu.dma_semaphore, #tpu.memory_space<semaphore_mem>>) src(%dma_wait3A_76 : memref<3200xi32, #tpu.memory_space<hbm>>) dst(%arg19 : memref<3200xi32, #tpu.memory_space<vmem>>)
        tpu.yield
      }) : () -> ()
      %scan3A_58 = arith.constant 0 : i32
      %scan3A_59 = arith.constant 25 : i32
      %scan3A_60 = arith.addi %scan3A_58, %scan3A_59 : i32
      %scan3A_61 = arith.constant 1 : i32
      %scan3A_62 = scf.for %scan3A_75 = %scan3A_58 to %scan3A_60 step %scan3A_61 iter_args(%scan3A_76 = %broadcast_in_dim3A_11) -> (vector<16xi1>)  : i32 {
        %mul3A_77 = arith.constant 8 : i32
        %mul3A_78 = arith.muli %scan3A_75, %mul3A_77 : i32
        %add3A_79 = arith.constant 0 : i32
        %add3A_80 = arith.addi %mul3A_78, %add3A_79 : i32
        %mul3A_81 = arith.constant 16 : i32
        %mul3A_82 = arith.muli %add3A_80, %mul3A_81 : i32
        %get3A = arith.index_cast %mul3A_82 : i32 to index
        %get3A_83 = tpu.vector_load %arg18[%get3A] {strides = array<i32>} : memref<3200xi32, #tpu.memory_space<vmem>>, vector<16xi32>,
        %mul3A_84 = arith.constant 16 : i32
        %mul3A_85 = arith.muli %add3A_80, %mul3A_84 : i32
        %get3A_86 = arith.index_cast %mul3A_85 : i32 to index
        %get3A_87 = tpu.vector_load %arg19[%get3A_86] {strides = array<i32>} : memref<3200xi32, #tpu.memory_space<vmem>>, vector<16xi32>,
        %broadcast_in_dim3A_88 = arith.constant true
        %broadcast_in_dim3A_89 = vector.broadcast %broadcast_in_dim3A_88 : i1 to vector<16xi1>
        %unique3A, %unique3A_90 = tpu.scan_count mask(%broadcast_in_dim3A_89 : vector<16xi1>) value(%get3A_87 : vector<16xi32>) : vector<16xi1>, vector<16xi32>
        %eq3A = arith.constant 1 : i32
        %eq3A_91 = vector.broadcast %eq3A : i32 to vector<16xi32>
        %eq3A_92 = arith.cmpi eq, %unique3A_90, %eq3A_91 : vector<16xi32>
        %eq3A_93 = arith.constant 2 : i32
        %eq3A_94 = vector.broadcast %eq3A_93 : i32 to vector<16xi32>
        %eq3A_95 = arith.cmpi eq, %unique3A_90, %eq3A_94 : vector<16xi32>
        %ge3A = arith.constant 3 : i32
        %ge3A_96 = vector.broadcast %ge3A : i32 to vector<16xi32>
        %ge3A_97 = arith.cmpi sge, %unique3A_90, %ge3A_96 : vector<16xi32>
        %or3A = arith.ori %scan3A_76, %ge3A_97 : vector<16xi1>
        %ge3A_98 = vector.broadcast %mul3A_4 : i32 to vector<16xi32>
        %ge3A_99 = arith.cmpi sge, %get3A_87, %ge3A_98 : vector<16xi32>
        %add3A_100 = arith.constant 320 : i32
        %add3A_101 = arith.addi %mul3A_4, %add3A_100 : i32
        %lt3A = vector.broadcast %add3A_101 : i32 to vector<16xi32>
        %lt3A_102 = arith.cmpi slt, %get3A_87, %lt3A : vector<16xi32>
        %and3A = arith.andi %ge3A_99, %lt3A_102 : vector<16xi1>
        %sub3A = vector.broadcast %mul3A_4 : i32 to vector<16xi32>
        %sub3A_103 = arith.subi %get3A_87, %sub3A : vector<16xi32>
        tpu.vector_store_idx %arg17[%sub3A_103], %broadcast_in_dim3A_9 masked %and3A {add = true} : memref<320xf32, #tpu.memory_space<vmem>>[vector<16xi32>], vector<16xf32>, vector<16xi1>
        %gather3A = tpu.vector_load_idx %arg8[%broadcast_in_dim3A_13, %get3A_83] : memref<4x10240xf32, #tpu.memory_space<vmem>>[vector<16xi32>, vector<16xi32>], vector<16xf32>,
        tpu.vector_store_idx %arg9[%get3A_87], %gather3A {add = true} : memref<10240xf32, #tpu.memory_space<vmem>>[vector<16xi32>], vector<16xf32>,
        %gather3A_104 = tpu.vector_load_idx %arg13[%get3A_87] : memref<10240xf32, #tpu.memory_space<vmem>>[vector<16xi32>], vector<16xf32>,
        %max3A = arith.maximumf %gather3A_104, %gather3A : vector<16xf32>
        tpu.vector_store_idx %arg13[%get3A_87], %max3A masked %eq3A_92 : memref<10240xf32, #tpu.memory_space<vmem>>[vector<16xi32>], vector<16xf32>, vector<16xi1>
        %gather3A_105 = tpu.vector_load_idx %arg8[%broadcast_in_dim3A_15, %get3A_83] : memref<4x10240xf32, #tpu.memory_space<vmem>>[vector<16xi32>, vector<16xi32>], vector<16xf32>,
        tpu.vector_store_idx %arg10[%get3A_87], %gather3A_105 {add = true} : memref<10240xf32, #tpu.memory_space<vmem>>[vector<16xi32>], vector<16xf32>,
        %gather3A_106 = tpu.vector_load_idx %arg14[%get3A_87] : memref<10240xf32, #tpu.memory_space<vmem>>[vector<16xi32>], vector<16xf32>,
        %max3A_107 = arith.maximumf %gather3A_106, %gather3A_105 : vector<16xf32>
        tpu.vector_store_idx %arg14[%get3A_87], %max3A_107 masked %eq3A_92 : memref<10240xf32, #tpu.memory_space<vmem>>[vector<16xi32>], vector<16xf32>, vector<16xi1>
        %gather3A_108 = tpu.vector_load_idx %arg8[%broadcast_in_dim3A_17, %get3A_83] : memref<4x10240xf32, #tpu.memory_space<vmem>>[vector<16xi32>, vector<16xi32>], vector<16xf32>,
        tpu.vector_store_idx %arg11[%get3A_87], %gather3A_108 {add = true} : memref<10240xf32, #tpu.memory_space<vmem>>[vector<16xi32>], vector<16xf32>,
        %gather3A_109 = tpu.vector_load_idx %arg15[%get3A_87] : memref<10240xf32, #tpu.memory_space<vmem>>[vector<16xi32>], vector<16xf32>,
        %max3A_110 = arith.maximumf %gather3A_109, %gather3A_108 : vector<16xf32>
        tpu.vector_store_idx %arg15[%get3A_87], %max3A_110 masked %eq3A_92 : memref<10240xf32, #tpu.memory_space<vmem>>[vector<16xi32>], vector<16xf32>, vector<16xi1>
        %gather3A_111 = tpu.vector_load_idx %arg8[%broadcast_in_dim3A_19, %get3A_83] : memref<4x10240xf32, #tpu.memory_space<vmem>>[vector<16xi32>, vector<16xi32>], vector<16xf32>,
        tpu.vector_store_idx %arg12[%get3A_87], %gather3A_111 {add = true} : memref<10240xf32, #tpu.memory_space<vmem>>[vector<16xi32>], vector<16xf32>,
        %gather3A_112 = tpu.vector_load_idx %arg16[%get3A_87] : memref<10240xf32, #tpu.memory_space<vmem>>[vector<16xi32>], vector<16xf32>,
        %max3A_113 = arith.maximumf %gather3A_112, %gather3A_111 : vector<16xf32>
        tpu.vector_store_idx %arg16[%get3A_87], %max3A_113 masked %eq3A_92 : memref<10240xf32, #tpu.memory_space<vmem>>[vector<16xi32>], vector<16xf32>, vector<16xi1>
        %ge3A_114 = arith.constant 2 : i32
        %ge3A_115 = vector.broadcast %ge3A_114 : i32 to vector<16xi32>
        %ge3A_116 = arith.cmpi sge, %unique3A_90, %ge3A_115 : vector<16xi32>
        %reduce_or3A_117 = arith.constant 1.000000e+00 : f32
        %reduce_or3A_118 = arith.constant 0.000000e+00 : f32
        %reduce_or3A_119 = vector.broadcast %reduce_or3A_117 : f32 to vector<16xf32>
        %reduce_or3A_120 = vector.broadcast %reduce_or3A_118 : f32 to vector<16xf32>
        %reduce_or3A_121 = arith.select %ge3A_116, %reduce_or3A_119, %reduce_or3A_120 : vector<16xi1>, vector<16xf32>
        %reduce_or3A_122 = arith.constant true
        %reduce_or3A_123 = vector.broadcast %reduce_or3A_122 : i1 to vector<16xi1>
        %reduce_or3A_124 = tpu.scan <max>, %reduce_or3A_121 masked %reduce_or3A_123 : vector<16xf32>, vector<16xi1> -> vector<16xf32>
        %reduce_or3A_125 = vector.extract %reduce_or3A_124[15] : f32 from vector<16xf32>
        %reduce_or3A_126 = arith.constant 0.000000e+00 : f32
        %reduce_or3A_127 = arith.cmpf ogt, %reduce_or3A_125, %reduce_or3A_126 : f32
        %convert_element_type3A_128 = arith.extui %reduce_or3A_127 : i1 to i32
        %cond3A_129 = arith.constant 0 : i32
        %cond3A_130 = arith.cmpi ne, %convert_element_type3A_128, %cond3A_129 : i32
        scf.if %cond3A_130 {
          %gather3A_579 = tpu.vector_load_idx %arg13[%get3A_87] masked %eq3A_95 : memref<10240xf32, #tpu.memory_space<vmem>>[vector<16xi32>], vector<16xf32>, vector<16xi1>
          %max3A_580 = arith.maximumf %gather3A_579, %gather3A : vector<16xf32>
          tpu.vector_store_idx %arg13[%get3A_87], %max3A_580 masked %eq3A_95 : memref<10240xf32, #tpu.memory_space<vmem>>[vector<16xi32>], vector<16xf32>, vector<16xi1>
          %gather3A_581 = tpu.vector_load_idx %arg14[%get3A_87] masked %eq3A_95 : memref<10240xf32, #tpu.memory_space<vmem>>[vector<16xi32>], vector<16xf32>, vector<16xi1>
          %max3A_582 = arith.maximumf %gather3A_581, %gather3A_105 : vector<16xf32>
          tpu.vector_store_idx %arg14[%get3A_87], %max3A_582 masked %eq3A_95 : memref<10240xf32, #tpu.memory_space<vmem>>[vector<16xi32>], vector<16xf32>, vector<16xi1>
          %gather3A_583 = tpu.vector_load_idx %arg15[%get3A_87] masked %eq3A_95 : memref<10240xf32, #tpu.memory_space<vmem>>[vector<16xi32>], vector<16xf32>, vector<16xi1>
          %max3A_584 = arith.maximumf %gather3A_583, %gather3A_108 : vector<16xf32>
          tpu.vector_store_idx %arg15[%get3A_87], %max3A_584 masked %eq3A_95 : memref<10240xf32, #tpu.memory_space<vmem>>[vector<16xi32>], vector<16xf32>, vector<16xi1>
          %gather3A_585 = tpu.vector_load_idx %arg16[%get3A_87] masked %eq3A_95 : memref<10240xf32, #tpu.memory_space<vmem>>[vector<16xi32>], vector<16xf32>, vector<16xi1>
          %max3A_586 = arith.maximumf %gather3A_585, %gather3A_111 : vector<16xf32>
          tpu.vector_store_idx %arg16[%get3A_87], %max3A_586 masked %eq3A_95 : memref<10240xf32, #tpu.memory_space<vmem>>[vector<16xi32>], vector<16xf32>, vector<16xi1>
        } else {
        }
        %mul3A_131 = arith.constant 8 : i32
        %mul3A_132 = arith.muli %scan3A_75, %mul3A_131 : i32
        %add3A_133 = arith.constant 1 : i32
        %add3A_134 = arith.addi %mul3A_132, %add3A_133 : i32
        %mul3A_135 = arith.constant 16 : i32
        %mul3A_136 = arith.muli %add3A_134, %mul3A_135 : i32
        %get3A_137 = arith.index_cast %mul3A_136 : i32 to index
        %get3A_138 = tpu.vector_load %arg18[%get3A_137] {strides = array<i32>} : memref<3200xi32, #tpu.memory_space<vmem>>, vector<16xi32>,
        %mul3A_139 = arith.constant 16 : i32
        %mul3A_140 = arith.muli %add3A_134, %mul3A_139 : i32
        %get3A_141 = arith.index_cast %mul3A_140 : i32 to index
        %get3A_142 = tpu.vector_load %arg19[%get3A_141] {strides = array<i32>} : memref<3200xi32, #tpu.memory_space<vmem>>, vector<16xi32>,
        %broadcast_in_dim3A_143 = arith.constant true
        %broadcast_in_dim3A_144 = vector.broadcast %broadcast_in_dim3A_143 : i1 to vector<16xi1>
        %unique3A_145, %unique3A_146 = tpu.scan_count mask(%broadcast_in_dim3A_144 : vector<16xi1>) value(%get3A_142 : vector<16xi32>) : vector<16xi1>, vector<16xi32>
        %eq3A_147 = arith.constant 1 : i32
        %eq3A_148 = vector.broadcast %eq3A_147 : i32 to vector<16xi32>
        %eq3A_149 = arith.cmpi eq, %unique3A_146, %eq3A_148 : vector<16xi32>
        %eq3A_150 = arith.constant 2 : i32
        %eq3A_151 = vector.broadcast %eq3A_150 : i32 to vector<16xi32>
        %eq3A_152 = arith.cmpi eq, %unique3A_146, %eq3A_151 : vector<16xi32>
        %ge3A_153 = arith.constant 3 : i32
        %ge3A_154 = vector.broadcast %ge3A_153 : i32 to vector<16xi32>
        %ge3A_155 = arith.cmpi sge, %unique3A_146, %ge3A_154 : vector<16xi32>
        %or3A_156 = arith.ori %or3A, %ge3A_155 : vector<16xi1>
        %ge3A_157 = vector.broadcast %mul3A_4 : i32 to vector<16xi32>
        %ge3A_158 = arith.cmpi sge, %get3A_142, %ge3A_157 : vector<16xi32>
        %add3A_159 = arith.constant 320 : i32
        %add3A_160 = arith.addi %mul3A_4, %add3A_159 : i32
        %lt3A_161 = vector.broadcast %add3A_160 : i32 to vector<16xi32>
        %lt3A_162 = arith.cmpi slt, %get3A_142, %lt3A_161 : vector<16xi32>
        %and3A_163 = arith.andi %ge3A_158, %lt3A_162 : vector<16xi1>
        %sub3A_164 = vector.broadcast %mul3A_4 : i32 to vector<16xi32>
        %sub3A_165 = arith.subi %get3A_142, %sub3A_164 : vector<16xi32>
        tpu.vector_store_idx %arg17[%sub3A_165], %broadcast_in_dim3A_9 masked %and3A_163 {add = true} : memref<320xf32, #tpu.memory_space<vmem>>[vector<16xi32>], vector<16xf32>, vector<16xi1>
        %gather3A_166 = tpu.vector_load_idx %arg8[%broadcast_in_dim3A_13, %get3A_138] : memref<4x10240xf32, #tpu.memory_space<vmem>>[vector<16xi32>, vector<16xi32>], vector<16xf32>,
        tpu.vector_store_idx %arg9[%get3A_142], %gather3A_166 {add = true} : memref<10240xf32, #tpu.memory_space<vmem>>[vector<16xi32>], vector<16xf32>,
        %gather3A_167 = tpu.vector_load_idx %arg13[%get3A_142] : memref<10240xf32, #tpu.memory_space<vmem>>[vector<16xi32>], vector<16xf32>,
        %max3A_168 = arith.maximumf %gather3A_167, %gather3A_166 : vector<16xf32>
        tpu.vector_store_idx %arg13[%get3A_142], %max3A_168 masked %eq3A_149 : memref<10240xf32, #tpu.memory_space<vmem>>[vector<16xi32>], vector<16xf32>, vector<16xi1>
        %gather3A_169 = tpu.vector_load_idx %arg8[%broadcast_in_dim3A_15, %get3A_138] : memref<4x10240xf32, #tpu.memory_space<vmem>>[vector<16xi32>, vector<16xi32>], vector<16xf32>,
        tpu.vector_store_idx %arg10[%get3A_142], %gather3A_169 {add = true} : memref<10240xf32, #tpu.memory_space<vmem>>[vector<16xi32>], vector<16xf32>,
        %gather3A_170 = tpu.vector_load_idx %arg14[%get3A_142] : memref<10240xf32, #tpu.memory_space<vmem>>[vector<16xi32>], vector<16xf32>,
        %max3A_171 = arith.maximumf %gather3A_170, %gather3A_169 : vector<16xf32>
        tpu.vector_store_idx %arg14[%get3A_142], %max3A_171 masked %eq3A_149 : memref<10240xf32, #tpu.memory_space<vmem>>[vector<16xi32>], vector<16xf32>, vector<16xi1>
        %gather3A_172 = tpu.vector_load_idx %arg8[%broadcast_in_dim3A_17, %get3A_138] : memref<4x10240xf32, #tpu.memory_space<vmem>>[vector<16xi32>, vector<16xi32>], vector<16xf32>,
        tpu.vector_store_idx %arg11[%get3A_142], %gather3A_172 {add = true} : memref<10240xf32, #tpu.memory_space<vmem>>[vector<16xi32>], vector<16xf32>,
        %gather3A_173 = tpu.vector_load_idx %arg15[%get3A_142] : memref<10240xf32, #tpu.memory_space<vmem>>[vector<16xi32>], vector<16xf32>,
        %max3A_174 = arith.maximumf %gather3A_173, %gather3A_172 : vector<16xf32>
        tpu.vector_store_idx %arg15[%get3A_142], %max3A_174 masked %eq3A_149 : memref<10240xf32, #tpu.memory_space<vmem>>[vector<16xi32>], vector<16xf32>, vector<16xi1>
        %gather3A_175 = tpu.vector_load_idx %arg8[%broadcast_in_dim3A_19, %get3A_138] : memref<4x10240xf32, #tpu.memory_space<vmem>>[vector<16xi32>, vector<16xi32>], vector<16xf32>,
        tpu.vector_store_idx %arg12[%get3A_142], %gather3A_175 {add = true} : memref<10240xf32, #tpu.memory_space<vmem>>[vector<16xi32>], vector<16xf32>,
        %gather3A_176 = tpu.vector_load_idx %arg16[%get3A_142] : memref<10240xf32, #tpu.memory_space<vmem>>[vector<16xi32>], vector<16xf32>,
        %max3A_177 = arith.maximumf %gather3A_176, %gather3A_175 : vector<16xf32>
        tpu.vector_store_idx %arg16[%get3A_142], %max3A_177 masked %eq3A_149 : memref<10240xf32, #tpu.memory_space<vmem>>[vector<16xi32>], vector<16xf32>, vector<16xi1>
        %ge3A_178 = arith.constant 2 : i32
        %ge3A_179 = vector.broadcast %ge3A_178 : i32 to vector<16xi32>
        %ge3A_180 = arith.cmpi sge, %unique3A_146, %ge3A_179 : vector<16xi32>
        %reduce_or3A_181 = arith.constant 1.000000e+00 : f32
        %reduce_or3A_182 = arith.constant 0.000000e+00 : f32
        %reduce_or3A_183 = vector.broadcast %reduce_or3A_181 : f32 to vector<16xf32>
        %reduce_or3A_184 = vector.broadcast %reduce_or3A_182 : f32 to vector<16xf32>
        %reduce_or3A_185 = arith.select %ge3A_180, %reduce_or3A_183, %reduce_or3A_184 : vector<16xi1>, vector<16xf32>
        %reduce_or3A_186 = arith.constant true
        %reduce_or3A_187 = vector.broadcast %reduce_or3A_186 : i1 to vector<16xi1>
        %reduce_or3A_188 = tpu.scan <max>, %reduce_or3A_185 masked %reduce_or3A_187 : vector<16xf32>, vector<16xi1> -> vector<16xf32>
        %reduce_or3A_189 = vector.extract %reduce_or3A_188[15] : f32 from vector<16xf32>
        %reduce_or3A_190 = arith.constant 0.000000e+00 : f32
        %reduce_or3A_191 = arith.cmpf ogt, %reduce_or3A_189, %reduce_or3A_190 : f32
        %convert_element_type3A_192 = arith.extui %reduce_or3A_191 : i1 to i32
        %cond3A_193 = arith.constant 0 : i32
        %cond3A_194 = arith.cmpi ne, %convert_element_type3A_192, %cond3A_193 : i32
        scf.if %cond3A_194 {
          %gather3A_579 = tpu.vector_load_idx %arg13[%get3A_142] masked %eq3A_152 : memref<10240xf32, #tpu.memory_space<vmem>>[vector<16xi32>], vector<16xf32>, vector<16xi1>
          %max3A_580 = arith.maximumf %gather3A_579, %gather3A_166 : vector<16xf32>
          tpu.vector_store_idx %arg13[%get3A_142], %max3A_580 masked %eq3A_152 : memref<10240xf32, #tpu.memory_space<vmem>>[vector<16xi32>], vector<16xf32>, vector<16xi1>
          %gather3A_581 = tpu.vector_load_idx %arg14[%get3A_142] masked %eq3A_152 : memref<10240xf32, #tpu.memory_space<vmem>>[vector<16xi32>], vector<16xf32>, vector<16xi1>
          %max3A_582 = arith.maximumf %gather3A_581, %gather3A_169 : vector<16xf32>
          tpu.vector_store_idx %arg14[%get3A_142], %max3A_582 masked %eq3A_152 : memref<10240xf32, #tpu.memory_space<vmem>>[vector<16xi32>], vector<16xf32>, vector<16xi1>
          %gather3A_583 = tpu.vector_load_idx %arg15[%get3A_142] masked %eq3A_152 : memref<10240xf32, #tpu.memory_space<vmem>>[vector<16xi32>], vector<16xf32>, vector<16xi1>
          %max3A_584 = arith.maximumf %gather3A_583, %gather3A_172 : vector<16xf32>
          tpu.vector_store_idx %arg15[%get3A_142], %max3A_584 masked %eq3A_152 : memref<10240xf32, #tpu.memory_space<vmem>>[vector<16xi32>], vector<16xf32>, vector<16xi1>
          %gather3A_585 = tpu.vector_load_idx %arg16[%get3A_142] masked %eq3A_152 : memref<10240xf32, #tpu.memory_space<vmem>>[vector<16xi32>], vector<16xf32>, vector<16xi1>
          %max3A_586 = arith.maximumf %gather3A_585, %gather3A_175 : vector<16xf32>
          tpu.vector_store_idx %arg16[%get3A_142], %max3A_586 masked %eq3A_152 : memref<10240xf32, #tpu.memory_space<vmem>>[vector<16xi32>], vector<16xf32>, vector<16xi1>
        } else {
        }
        %mul3A_195 = arith.constant 8 : i32
        %mul3A_196 = arith.muli %scan3A_75, %mul3A_195 : i32
        %add3A_197 = arith.constant 2 : i32
        %add3A_198 = arith.addi %mul3A_196, %add3A_197 : i32
        %mul3A_199 = arith.constant 16 : i32
        %mul3A_200 = arith.muli %add3A_198, %mul3A_199 : i32
        %get3A_201 = arith.index_cast %mul3A_200 : i32 to index
        %get3A_202 = tpu.vector_load %arg18[%get3A_201] {strides = array<i32>} : memref<3200xi32, #tpu.memory_space<vmem>>, vector<16xi32>,
        %mul3A_203 = arith.constant 16 : i32
        %mul3A_204 = arith.muli %add3A_198, %mul3A_203 : i32
        %get3A_205 = arith.index_cast %mul3A_204 : i32 to index
        %get3A_206 = tpu.vector_load %arg19[%get3A_205] {strides = array<i32>} : memref<3200xi32, #tpu.memory_space<vmem>>, vector<16xi32>,
        %broadcast_in_dim3A_207 = arith.constant true
        %broadcast_in_dim3A_208 = vector.broadcast %broadcast_in_dim3A_207 : i1 to vector<16xi1>
        %unique3A_209, %unique3A_210 = tpu.scan_count mask(%broadcast_in_dim3A_208 : vector<16xi1>) value(%get3A_206 : vector<16xi32>) : vector<16xi1>, vector<16xi32>
        %eq3A_211 = arith.constant 1 : i32
        %eq3A_212 = vector.broadcast %eq3A_211 : i32 to vector<16xi32>
        %eq3A_213 = arith.cmpi eq, %unique3A_210, %eq3A_212 : vector<16xi32>
        %eq3A_214 = arith.constant 2 : i32
        %eq3A_215 = vector.broadcast %eq3A_214 : i32 to vector<16xi32>
        %eq3A_216 = arith.cmpi eq, %unique3A_210, %eq3A_215 : vector<16xi32>
        %ge3A_217 = arith.constant 3 : i32
        %ge3A_218 = vector.broadcast %ge3A_217 : i32 to vector<16xi32>
        %ge3A_219 = arith.cmpi sge, %unique3A_210, %ge3A_218 : vector<16xi32>
        %or3A_220 = arith.ori %or3A_156, %ge3A_219 : vector<16xi1>
        %ge3A_221 = vector.broadcast %mul3A_4 : i32 to vector<16xi32>
        %ge3A_222 = arith.cmpi sge, %get3A_206, %ge3A_221 : vector<16xi32>
        %add3A_223 = arith.constant 320 : i32
        %add3A_224 = arith.addi %mul3A_4, %add3A_223 : i32
        %lt3A_225 = vector.broadcast %add3A_224 : i32 to vector<16xi32>
        %lt3A_226 = arith.cmpi slt, %get3A_206, %lt3A_225 : vector<16xi32>
        %and3A_227 = arith.andi %ge3A_222, %lt3A_226 : vector<16xi1>
        %sub3A_228 = vector.broadcast %mul3A_4 : i32 to vector<16xi32>
        %sub3A_229 = arith.subi %get3A_206, %sub3A_228 : vector<16xi32>
        tpu.vector_store_idx %arg17[%sub3A_229], %broadcast_in_dim3A_9 masked %and3A_227 {add = true} : memref<320xf32, #tpu.memory_space<vmem>>[vector<16xi32>], vector<16xf32>, vector<16xi1>
        %gather3A_230 = tpu.vector_load_idx %arg8[%broadcast_in_dim3A_13, %get3A_202] : memref<4x10240xf32, #tpu.memory_space<vmem>>[vector<16xi32>, vector<16xi32>], vector<16xf32>,
        tpu.vector_store_idx %arg9[%get3A_206], %gather3A_230 {add = true} : memref<10240xf32, #tpu.memory_space<vmem>>[vector<16xi32>], vector<16xf32>,
        %gather3A_231 = tpu.vector_load_idx %arg13[%get3A_206] : memref<10240xf32, #tpu.memory_space<vmem>>[vector<16xi32>], vector<16xf32>,
        %max3A_232 = arith.maximumf %gather3A_231, %gather3A_230 : vector<16xf32>
        tpu.vector_store_idx %arg13[%get3A_206], %max3A_232 masked %eq3A_213 : memref<10240xf32, #tpu.memory_space<vmem>>[vector<16xi32>], vector<16xf32>, vector<16xi1>
        %gather3A_233 = tpu.vector_load_idx %arg8[%broadcast_in_dim3A_15, %get3A_202] : memref<4x10240xf32, #tpu.memory_space<vmem>>[vector<16xi32>, vector<16xi32>], vector<16xf32>,
        tpu.vector_store_idx %arg10[%get3A_206], %gather3A_233 {add = true} : memref<10240xf32, #tpu.memory_space<vmem>>[vector<16xi32>], vector<16xf32>,
        %gather3A_234 = tpu.vector_load_idx %arg14[%get3A_206] : memref<10240xf32, #tpu.memory_space<vmem>>[vector<16xi32>], vector<16xf32>,
        %max3A_235 = arith.maximumf %gather3A_234, %gather3A_233 : vector<16xf32>
        tpu.vector_store_idx %arg14[%get3A_206], %max3A_235 masked %eq3A_213 : memref<10240xf32, #tpu.memory_space<vmem>>[vector<16xi32>], vector<16xf32>, vector<16xi1>
        %gather3A_236 = tpu.vector_load_idx %arg8[%broadcast_in_dim3A_17, %get3A_202] : memref<4x10240xf32, #tpu.memory_space<vmem>>[vector<16xi32>, vector<16xi32>], vector<16xf32>,
        tpu.vector_store_idx %arg11[%get3A_206], %gather3A_236 {add = true} : memref<10240xf32, #tpu.memory_space<vmem>>[vector<16xi32>], vector<16xf32>,
        %gather3A_237 = tpu.vector_load_idx %arg15[%get3A_206] : memref<10240xf32, #tpu.memory_space<vmem>>[vector<16xi32>], vector<16xf32>,
        %max3A_238 = arith.maximumf %gather3A_237, %gather3A_236 : vector<16xf32>
        tpu.vector_store_idx %arg15[%get3A_206], %max3A_238 masked %eq3A_213 : memref<10240xf32, #tpu.memory_space<vmem>>[vector<16xi32>], vector<16xf32>, vector<16xi1>
        %gather3A_239 = tpu.vector_load_idx %arg8[%broadcast_in_dim3A_19, %get3A_202] : memref<4x10240xf32, #tpu.memory_space<vmem>>[vector<16xi32>, vector<16xi32>], vector<16xf32>,
        tpu.vector_store_idx %arg12[%get3A_206], %gather3A_239 {add = true} : memref<10240xf32, #tpu.memory_space<vmem>>[vector<16xi32>], vector<16xf32>,
        %gather3A_240 = tpu.vector_load_idx %arg16[%get3A_206] : memref<10240xf32, #tpu.memory_space<vmem>>[vector<16xi32>], vector<16xf32>,
        %max3A_241 = arith.maximumf %gather3A_240, %gather3A_239 : vector<16xf32>
        tpu.vector_store_idx %arg16[%get3A_206], %max3A_241 masked %eq3A_213 : memref<10240xf32, #tpu.memory_space<vmem>>[vector<16xi32>], vector<16xf32>, vector<16xi1>
        %ge3A_242 = arith.constant 2 : i32
        %ge3A_243 = vector.broadcast %ge3A_242 : i32 to vector<16xi32>
        %ge3A_244 = arith.cmpi sge, %unique3A_210, %ge3A_243 : vector<16xi32>
        %reduce_or3A_245 = arith.constant 1.000000e+00 : f32
        %reduce_or3A_246 = arith.constant 0.000000e+00 : f32
        %reduce_or3A_247 = vector.broadcast %reduce_or3A_245 : f32 to vector<16xf32>
        %reduce_or3A_248 = vector.broadcast %reduce_or3A_246 : f32 to vector<16xf32>
        %reduce_or3A_249 = arith.select %ge3A_244, %reduce_or3A_247, %reduce_or3A_248 : vector<16xi1>, vector<16xf32>
        %reduce_or3A_250 = arith.constant true
        %reduce_or3A_251 = vector.broadcast %reduce_or3A_250 : i1 to vector<16xi1>
        %reduce_or3A_252 = tpu.scan <max>, %reduce_or3A_249 masked %reduce_or3A_251 : vector<16xf32>, vector<16xi1> -> vector<16xf32>
        %reduce_or3A_253 = vector.extract %reduce_or3A_252[15] : f32 from vector<16xf32>
        %reduce_or3A_254 = arith.constant 0.000000e+00 : f32
        %reduce_or3A_255 = arith.cmpf ogt, %reduce_or3A_253, %reduce_or3A_254 : f32
        %convert_element_type3A_256 = arith.extui %reduce_or3A_255 : i1 to i32
        %cond3A_257 = arith.constant 0 : i32
        %cond3A_258 = arith.cmpi ne, %convert_element_type3A_256, %cond3A_257 : i32
        scf.if %cond3A_258 {
          %gather3A_579 = tpu.vector_load_idx %arg13[%get3A_206] masked %eq3A_216 : memref<10240xf32, #tpu.memory_space<vmem>>[vector<16xi32>], vector<16xf32>, vector<16xi1>
          %max3A_580 = arith.maximumf %gather3A_579, %gather3A_230 : vector<16xf32>
          tpu.vector_store_idx %arg13[%get3A_206], %max3A_580 masked %eq3A_216 : memref<10240xf32, #tpu.memory_space<vmem>>[vector<16xi32>], vector<16xf32>, vector<16xi1>
          %gather3A_581 = tpu.vector_load_idx %arg14[%get3A_206] masked %eq3A_216 : memref<10240xf32, #tpu.memory_space<vmem>>[vector<16xi32>], vector<16xf32>, vector<16xi1>
          %max3A_582 = arith.maximumf %gather3A_581, %gather3A_233 : vector<16xf32>
          tpu.vector_store_idx %arg14[%get3A_206], %max3A_582 masked %eq3A_216 : memref<10240xf32, #tpu.memory_space<vmem>>[vector<16xi32>], vector<16xf32>, vector<16xi1>
          %gather3A_583 = tpu.vector_load_idx %arg15[%get3A_206] masked %eq3A_216 : memref<10240xf32, #tpu.memory_space<vmem>>[vector<16xi32>], vector<16xf32>, vector<16xi1>
          %max3A_584 = arith.maximumf %gather3A_583, %gather3A_236 : vector<16xf32>
          tpu.vector_store_idx %arg15[%get3A_206], %max3A_584 masked %eq3A_216 : memref<10240xf32, #tpu.memory_space<vmem>>[vector<16xi32>], vector<16xf32>, vector<16xi1>
          %gather3A_585 = tpu.vector_load_idx %arg16[%get3A_206] masked %eq3A_216 : memref<10240xf32, #tpu.memory_space<vmem>>[vector<16xi32>], vector<16xf32>, vector<16xi1>
          %max3A_586 = arith.maximumf %gather3A_585, %gather3A_239 : vector<16xf32>
          tpu.vector_store_idx %arg16[%get3A_206], %max3A_586 masked %eq3A_216 : memref<10240xf32, #tpu.memory_space<vmem>>[vector<16xi32>], vector<16xf32>, vector<16xi1>
        } else {
        }
        %mul3A_259 = arith.constant 8 : i32
        %mul3A_260 = arith.muli %scan3A_75, %mul3A_259 : i32
        %add3A_261 = arith.constant 3 : i32
        %add3A_262 = arith.addi %mul3A_260, %add3A_261 : i32
        %mul3A_263 = arith.constant 16 : i32
        %mul3A_264 = arith.muli %add3A_262, %mul3A_263 : i32
        %get3A_265 = arith.index_cast %mul3A_264 : i32 to index
        %get3A_266 = tpu.vector_load %arg18[%get3A_265] {strides = array<i32>} : memref<3200xi32, #tpu.memory_space<vmem>>, vector<16xi32>,
        %mul3A_267 = arith.constant 16 : i32
        %mul3A_268 = arith.muli %add3A_262, %mul3A_267 : i32
        %get3A_269 = arith.index_cast %mul3A_268 : i32 to index
        %get3A_270 = tpu.vector_load %arg19[%get3A_269] {strides = array<i32>} : memref<3200xi32, #tpu.memory_space<vmem>>, vector<16xi32>,
        %broadcast_in_dim3A_271 = arith.constant true
        %broadcast_in_dim3A_272 = vector.broadcast %broadcast_in_dim3A_271 : i1 to vector<16xi1>
        %unique3A_273, %unique3A_274 = tpu.scan_count mask(%broadcast_in_dim3A_272 : vector<16xi1>) value(%get3A_270 : vector<16xi32>) : vector<16xi1>, vector<16xi32>
        %eq3A_275 = arith.constant 1 : i32
        %eq3A_276 = vector.broadcast %eq3A_275 : i32 to vector<16xi32>
        %eq3A_277 = arith.cmpi eq, %unique3A_274, %eq3A_276 : vector<16xi32>
        %eq3A_278 = arith.constant 2 : i32
        %eq3A_279 = vector.broadcast %eq3A_278 : i32 to vector<16xi32>
        %eq3A_280 = arith.cmpi eq, %unique3A_274, %eq3A_279 : vector<16xi32>
        %ge3A_281 = arith.constant 3 : i32
        %ge3A_282 = vector.broadcast %ge3A_281 : i32 to vector<16xi32>
        %ge3A_283 = arith.cmpi sge, %unique3A_274, %ge3A_282 : vector<16xi32>
        %or3A_284 = arith.ori %or3A_220, %ge3A_283 : vector<16xi1>
        %ge3A_285 = vector.broadcast %mul3A_4 : i32 to vector<16xi32>
        %ge3A_286 = arith.cmpi sge, %get3A_270, %ge3A_285 : vector<16xi32>
        %add3A_287 = arith.constant 320 : i32
        %add3A_288 = arith.addi %mul3A_4, %add3A_287 : i32
        %lt3A_289 = vector.broadcast %add3A_288 : i32 to vector<16xi32>
        %lt3A_290 = arith.cmpi slt, %get3A_270, %lt3A_289 : vector<16xi32>
        %and3A_291 = arith.andi %ge3A_286, %lt3A_290 : vector<16xi1>
        %sub3A_292 = vector.broadcast %mul3A_4 : i32 to vector<16xi32>
        %sub3A_293 = arith.subi %get3A_270, %sub3A_292 : vector<16xi32>
        tpu.vector_store_idx %arg17[%sub3A_293], %broadcast_in_dim3A_9 masked %and3A_291 {add = true} : memref<320xf32, #tpu.memory_space<vmem>>[vector<16xi32>], vector<16xf32>, vector<16xi1>
        %gather3A_294 = tpu.vector_load_idx %arg8[%broadcast_in_dim3A_13, %get3A_266] : memref<4x10240xf32, #tpu.memory_space<vmem>>[vector<16xi32>, vector<16xi32>], vector<16xf32>,
        tpu.vector_store_idx %arg9[%get3A_270], %gather3A_294 {add = true} : memref<10240xf32, #tpu.memory_space<vmem>>[vector<16xi32>], vector<16xf32>,
        %gather3A_295 = tpu.vector_load_idx %arg13[%get3A_270] : memref<10240xf32, #tpu.memory_space<vmem>>[vector<16xi32>], vector<16xf32>,
        %max3A_296 = arith.maximumf %gather3A_295, %gather3A_294 : vector<16xf32>
        tpu.vector_store_idx %arg13[%get3A_270], %max3A_296 masked %eq3A_277 : memref<10240xf32, #tpu.memory_space<vmem>>[vector<16xi32>], vector<16xf32>, vector<16xi1>
        %gather3A_297 = tpu.vector_load_idx %arg8[%broadcast_in_dim3A_15, %get3A_266] : memref<4x10240xf32, #tpu.memory_space<vmem>>[vector<16xi32>, vector<16xi32>], vector<16xf32>,
        tpu.vector_store_idx %arg10[%get3A_270], %gather3A_297 {add = true} : memref<10240xf32, #tpu.memory_space<vmem>>[vector<16xi32>], vector<16xf32>,
        %gather3A_298 = tpu.vector_load_idx %arg14[%get3A_270] : memref<10240xf32, #tpu.memory_space<vmem>>[vector<16xi32>], vector<16xf32>,
        %max3A_299 = arith.maximumf %gather3A_298, %gather3A_297 : vector<16xf32>
        tpu.vector_store_idx %arg14[%get3A_270], %max3A_299 masked %eq3A_277 : memref<10240xf32, #tpu.memory_space<vmem>>[vector<16xi32>], vector<16xf32>, vector<16xi1>
        %gather3A_300 = tpu.vector_load_idx %arg8[%broadcast_in_dim3A_17, %get3A_266] : memref<4x10240xf32, #tpu.memory_space<vmem>>[vector<16xi32>, vector<16xi32>], vector<16xf32>,
        tpu.vector_store_idx %arg11[%get3A_270], %gather3A_300 {add = true} : memref<10240xf32, #tpu.memory_space<vmem>>[vector<16xi32>], vector<16xf32>,
        %gather3A_301 = tpu.vector_load_idx %arg15[%get3A_270] : memref<10240xf32, #tpu.memory_space<vmem>>[vector<16xi32>], vector<16xf32>,
        %max3A_302 = arith.maximumf %gather3A_301, %gather3A_300 : vector<16xf32>
        tpu.vector_store_idx %arg15[%get3A_270], %max3A_302 masked %eq3A_277 : memref<10240xf32, #tpu.memory_space<vmem>>[vector<16xi32>], vector<16xf32>, vector<16xi1>
        %gather3A_303 = tpu.vector_load_idx %arg8[%broadcast_in_dim3A_19, %get3A_266] : memref<4x10240xf32, #tpu.memory_space<vmem>>[vector<16xi32>, vector<16xi32>], vector<16xf32>,
        tpu.vector_store_idx %arg12[%get3A_270], %gather3A_303 {add = true} : memref<10240xf32, #tpu.memory_space<vmem>>[vector<16xi32>], vector<16xf32>,
        %gather3A_304 = tpu.vector_load_idx %arg16[%get3A_270] : memref<10240xf32, #tpu.memory_space<vmem>>[vector<16xi32>], vector<16xf32>,
        %max3A_305 = arith.maximumf %gather3A_304, %gather3A_303 : vector<16xf32>
        tpu.vector_store_idx %arg16[%get3A_270], %max3A_305 masked %eq3A_277 : memref<10240xf32, #tpu.memory_space<vmem>>[vector<16xi32>], vector<16xf32>, vector<16xi1>
        %ge3A_306 = arith.constant 2 : i32
        %ge3A_307 = vector.broadcast %ge3A_306 : i32 to vector<16xi32>
        %ge3A_308 = arith.cmpi sge, %unique3A_274, %ge3A_307 : vector<16xi32>
        %reduce_or3A_309 = arith.constant 1.000000e+00 : f32
        %reduce_or3A_310 = arith.constant 0.000000e+00 : f32
        %reduce_or3A_311 = vector.broadcast %reduce_or3A_309 : f32 to vector<16xf32>
        %reduce_or3A_312 = vector.broadcast %reduce_or3A_310 : f32 to vector<16xf32>
        %reduce_or3A_313 = arith.select %ge3A_308, %reduce_or3A_311, %reduce_or3A_312 : vector<16xi1>, vector<16xf32>
        %reduce_or3A_314 = arith.constant true
        %reduce_or3A_315 = vector.broadcast %reduce_or3A_314 : i1 to vector<16xi1>
        %reduce_or3A_316 = tpu.scan <max>, %reduce_or3A_313 masked %reduce_or3A_315 : vector<16xf32>, vector<16xi1> -> vector<16xf32>
        %reduce_or3A_317 = vector.extract %reduce_or3A_316[15] : f32 from vector<16xf32>
        %reduce_or3A_318 = arith.constant 0.000000e+00 : f32
        %reduce_or3A_319 = arith.cmpf ogt, %reduce_or3A_317, %reduce_or3A_318 : f32
        %convert_element_type3A_320 = arith.extui %reduce_or3A_319 : i1 to i32
        %cond3A_321 = arith.constant 0 : i32
        %cond3A_322 = arith.cmpi ne, %convert_element_type3A_320, %cond3A_321 : i32
        scf.if %cond3A_322 {
          %gather3A_579 = tpu.vector_load_idx %arg13[%get3A_270] masked %eq3A_280 : memref<10240xf32, #tpu.memory_space<vmem>>[vector<16xi32>], vector<16xf32>, vector<16xi1>
          %max3A_580 = arith.maximumf %gather3A_579, %gather3A_294 : vector<16xf32>
          tpu.vector_store_idx %arg13[%get3A_270], %max3A_580 masked %eq3A_280 : memref<10240xf32, #tpu.memory_space<vmem>>[vector<16xi32>], vector<16xf32>, vector<16xi1>
          %gather3A_581 = tpu.vector_load_idx %arg14[%get3A_270] masked %eq3A_280 : memref<10240xf32, #tpu.memory_space<vmem>>[vector<16xi32>], vector<16xf32>, vector<16xi1>
          %max3A_582 = arith.maximumf %gather3A_581, %gather3A_297 : vector<16xf32>
          tpu.vector_store_idx %arg14[%get3A_270], %max3A_582 masked %eq3A_280 : memref<10240xf32, #tpu.memory_space<vmem>>[vector<16xi32>], vector<16xf32>, vector<16xi1>
          %gather3A_583 = tpu.vector_load_idx %arg15[%get3A_270] masked %eq3A_280 : memref<10240xf32, #tpu.memory_space<vmem>>[vector<16xi32>], vector<16xf32>, vector<16xi1>
          %max3A_584 = arith.maximumf %gather3A_583, %gather3A_300 : vector<16xf32>
          tpu.vector_store_idx %arg15[%get3A_270], %max3A_584 masked %eq3A_280 : memref<10240xf32, #tpu.memory_space<vmem>>[vector<16xi32>], vector<16xf32>, vector<16xi1>
          %gather3A_585 = tpu.vector_load_idx %arg16[%get3A_270] masked %eq3A_280 : memref<10240xf32, #tpu.memory_space<vmem>>[vector<16xi32>], vector<16xf32>, vector<16xi1>
          %max3A_586 = arith.maximumf %gather3A_585, %gather3A_303 : vector<16xf32>
          tpu.vector_store_idx %arg16[%get3A_270], %max3A_586 masked %eq3A_280 : memref<10240xf32, #tpu.memory_space<vmem>>[vector<16xi32>], vector<16xf32>, vector<16xi1>
        } else {
        }
        %mul3A_323 = arith.constant 8 : i32
        %mul3A_324 = arith.muli %scan3A_75, %mul3A_323 : i32
        %add3A_325 = arith.constant 4 : i32
        %add3A_326 = arith.addi %mul3A_324, %add3A_325 : i32
        %mul3A_327 = arith.constant 16 : i32
        %mul3A_328 = arith.muli %add3A_326, %mul3A_327 : i32
        %get3A_329 = arith.index_cast %mul3A_328 : i32 to index
        %get3A_330 = tpu.vector_load %arg18[%get3A_329] {strides = array<i32>} : memref<3200xi32, #tpu.memory_space<vmem>>, vector<16xi32>,
        %mul3A_331 = arith.constant 16 : i32
        %mul3A_332 = arith.muli %add3A_326, %mul3A_331 : i32
        %get3A_333 = arith.index_cast %mul3A_332 : i32 to index
        %get3A_334 = tpu.vector_load %arg19[%get3A_333] {strides = array<i32>} : memref<3200xi32, #tpu.memory_space<vmem>>, vector<16xi32>,
        %broadcast_in_dim3A_335 = arith.constant true
        %broadcast_in_dim3A_336 = vector.broadcast %broadcast_in_dim3A_335 : i1 to vector<16xi1>
        %unique3A_337, %unique3A_338 = tpu.scan_count mask(%broadcast_in_dim3A_336 : vector<16xi1>) value(%get3A_334 : vector<16xi32>) : vector<16xi1>, vector<16xi32>
        %eq3A_339 = arith.constant 1 : i32
        %eq3A_340 = vector.broadcast %eq3A_339 : i32 to vector<16xi32>
        %eq3A_341 = arith.cmpi eq, %unique3A_338, %eq3A_340 : vector<16xi32>
        %eq3A_342 = arith.constant 2 : i32
        %eq3A_343 = vector.broadcast %eq3A_342 : i32 to vector<16xi32>
        %eq3A_344 = arith.cmpi eq, %unique3A_338, %eq3A_343 : vector<16xi32>
        %ge3A_345 = arith.constant 3 : i32
        %ge3A_346 = vector.broadcast %ge3A_345 : i32 to vector<16xi32>
        %ge3A_347 = arith.cmpi sge, %unique3A_338, %ge3A_346 : vector<16xi32>
        %or3A_348 = arith.ori %or3A_284, %ge3A_347 : vector<16xi1>
        %ge3A_349 = vector.broadcast %mul3A_4 : i32 to vector<16xi32>
        %ge3A_350 = arith.cmpi sge, %get3A_334, %ge3A_349 : vector<16xi32>
        %add3A_351 = arith.constant 320 : i32
        %add3A_352 = arith.addi %mul3A_4, %add3A_351 : i32
        %lt3A_353 = vector.broadcast %add3A_352 : i32 to vector<16xi32>
        %lt3A_354 = arith.cmpi slt, %get3A_334, %lt3A_353 : vector<16xi32>
        %and3A_355 = arith.andi %ge3A_350, %lt3A_354 : vector<16xi1>
        %sub3A_356 = vector.broadcast %mul3A_4 : i32 to vector<16xi32>
        %sub3A_357 = arith.subi %get3A_334, %sub3A_356 : vector<16xi32>
        tpu.vector_store_idx %arg17[%sub3A_357], %broadcast_in_dim3A_9 masked %and3A_355 {add = true} : memref<320xf32, #tpu.memory_space<vmem>>[vector<16xi32>], vector<16xf32>, vector<16xi1>
        %gather3A_358 = tpu.vector_load_idx %arg8[%broadcast_in_dim3A_13, %get3A_330] : memref<4x10240xf32, #tpu.memory_space<vmem>>[vector<16xi32>, vector<16xi32>], vector<16xf32>,
        tpu.vector_store_idx %arg9[%get3A_334], %gather3A_358 {add = true} : memref<10240xf32, #tpu.memory_space<vmem>>[vector<16xi32>], vector<16xf32>,
        %gather3A_359 = tpu.vector_load_idx %arg13[%get3A_334] : memref<10240xf32, #tpu.memory_space<vmem>>[vector<16xi32>], vector<16xf32>,
        %max3A_360 = arith.maximumf %gather3A_359, %gather3A_358 : vector<16xf32>
        tpu.vector_store_idx %arg13[%get3A_334], %max3A_360 masked %eq3A_341 : memref<10240xf32, #tpu.memory_space<vmem>>[vector<16xi32>], vector<16xf32>, vector<16xi1>
        %gather3A_361 = tpu.vector_load_idx %arg8[%broadcast_in_dim3A_15, %get3A_330] : memref<4x10240xf32, #tpu.memory_space<vmem>>[vector<16xi32>, vector<16xi32>], vector<16xf32>,
        tpu.vector_store_idx %arg10[%get3A_334], %gather3A_361 {add = true} : memref<10240xf32, #tpu.memory_space<vmem>>[vector<16xi32>], vector<16xf32>,
        %gather3A_362 = tpu.vector_load_idx %arg14[%get3A_334] : memref<10240xf32, #tpu.memory_space<vmem>>[vector<16xi32>], vector<16xf32>,
        %max3A_363 = arith.maximumf %gather3A_362, %gather3A_361 : vector<16xf32>
        tpu.vector_store_idx %arg14[%get3A_334], %max3A_363 masked %eq3A_341 : memref<10240xf32, #tpu.memory_space<vmem>>[vector<16xi32>], vector<16xf32>, vector<16xi1>
        %gather3A_364 = tpu.vector_load_idx %arg8[%broadcast_in_dim3A_17, %get3A_330] : memref<4x10240xf32, #tpu.memory_space<vmem>>[vector<16xi32>, vector<16xi32>], vector<16xf32>,
        tpu.vector_store_idx %arg11[%get3A_334], %gather3A_364 {add = true} : memref<10240xf32, #tpu.memory_space<vmem>>[vector<16xi32>], vector<16xf32>,
        %gather3A_365 = tpu.vector_load_idx %arg15[%get3A_334] : memref<10240xf32, #tpu.memory_space<vmem>>[vector<16xi32>], vector<16xf32>,
        %max3A_366 = arith.maximumf %gather3A_365, %gather3A_364 : vector<16xf32>
        tpu.vector_store_idx %arg15[%get3A_334], %max3A_366 masked %eq3A_341 : memref<10240xf32, #tpu.memory_space<vmem>>[vector<16xi32>], vector<16xf32>, vector<16xi1>
        %gather3A_367 = tpu.vector_load_idx %arg8[%broadcast_in_dim3A_19, %get3A_330] : memref<4x10240xf32, #tpu.memory_space<vmem>>[vector<16xi32>, vector<16xi32>], vector<16xf32>,
        tpu.vector_store_idx %arg12[%get3A_334], %gather3A_367 {add = true} : memref<10240xf32, #tpu.memory_space<vmem>>[vector<16xi32>], vector<16xf32>,
        %gather3A_368 = tpu.vector_load_idx %arg16[%get3A_334] : memref<10240xf32, #tpu.memory_space<vmem>>[vector<16xi32>], vector<16xf32>,
        %max3A_369 = arith.maximumf %gather3A_368, %gather3A_367 : vector<16xf32>
        tpu.vector_store_idx %arg16[%get3A_334], %max3A_369 masked %eq3A_341 : memref<10240xf32, #tpu.memory_space<vmem>>[vector<16xi32>], vector<16xf32>, vector<16xi1>
        %ge3A_370 = arith.constant 2 : i32
        %ge3A_371 = vector.broadcast %ge3A_370 : i32 to vector<16xi32>
        %ge3A_372 = arith.cmpi sge, %unique3A_338, %ge3A_371 : vector<16xi32>
        %reduce_or3A_373 = arith.constant 1.000000e+00 : f32
        %reduce_or3A_374 = arith.constant 0.000000e+00 : f32
        %reduce_or3A_375 = vector.broadcast %reduce_or3A_373 : f32 to vector<16xf32>
        %reduce_or3A_376 = vector.broadcast %reduce_or3A_374 : f32 to vector<16xf32>
        %reduce_or3A_377 = arith.select %ge3A_372, %reduce_or3A_375, %reduce_or3A_376 : vector<16xi1>, vector<16xf32>
        %reduce_or3A_378 = arith.constant true
        %reduce_or3A_379 = vector.broadcast %reduce_or3A_378 : i1 to vector<16xi1>
        %reduce_or3A_380 = tpu.scan <max>, %reduce_or3A_377 masked %reduce_or3A_379 : vector<16xf32>, vector<16xi1> -> vector<16xf32>
        %reduce_or3A_381 = vector.extract %reduce_or3A_380[15] : f32 from vector<16xf32>
        %reduce_or3A_382 = arith.constant 0.000000e+00 : f32
        %reduce_or3A_383 = arith.cmpf ogt, %reduce_or3A_381, %reduce_or3A_382 : f32
        %convert_element_type3A_384 = arith.extui %reduce_or3A_383 : i1 to i32
        %cond3A_385 = arith.constant 0 : i32
        %cond3A_386 = arith.cmpi ne, %convert_element_type3A_384, %cond3A_385 : i32
        scf.if %cond3A_386 {
          %gather3A_579 = tpu.vector_load_idx %arg13[%get3A_334] masked %eq3A_344 : memref<10240xf32, #tpu.memory_space<vmem>>[vector<16xi32>], vector<16xf32>, vector<16xi1>
          %max3A_580 = arith.maximumf %gather3A_579, %gather3A_358 : vector<16xf32>
          tpu.vector_store_idx %arg13[%get3A_334], %max3A_580 masked %eq3A_344 : memref<10240xf32, #tpu.memory_space<vmem>>[vector<16xi32>], vector<16xf32>, vector<16xi1>
          %gather3A_581 = tpu.vector_load_idx %arg14[%get3A_334] masked %eq3A_344 : memref<10240xf32, #tpu.memory_space<vmem>>[vector<16xi32>], vector<16xf32>, vector<16xi1>
          %max3A_582 = arith.maximumf %gather3A_581, %gather3A_361 : vector<16xf32>
          tpu.vector_store_idx %arg14[%get3A_334], %max3A_582 masked %eq3A_344 : memref<10240xf32, #tpu.memory_space<vmem>>[vector<16xi32>], vector<16xf32>, vector<16xi1>
          %gather3A_583 = tpu.vector_load_idx %arg15[%get3A_334] masked %eq3A_344 : memref<10240xf32, #tpu.memory_space<vmem>>[vector<16xi32>], vector<16xf32>, vector<16xi1>
          %max3A_584 = arith.maximumf %gather3A_583, %gather3A_364 : vector<16xf32>
          tpu.vector_store_idx %arg15[%get3A_334], %max3A_584 masked %eq3A_344 : memref<10240xf32, #tpu.memory_space<vmem>>[vector<16xi32>], vector<16xf32>, vector<16xi1>
          %gather3A_585 = tpu.vector_load_idx %arg16[%get3A_334] masked %eq3A_344 : memref<10240xf32, #tpu.memory_space<vmem>>[vector<16xi32>], vector<16xf32>, vector<16xi1>
          %max3A_586 = arith.maximumf %gather3A_585, %gather3A_367 : vector<16xf32>
          tpu.vector_store_idx %arg16[%get3A_334], %max3A_586 masked %eq3A_344 : memref<10240xf32, #tpu.memory_space<vmem>>[vector<16xi32>], vector<16xf32>, vector<16xi1>
        } else {
        }
        %mul3A_387 = arith.constant 8 : i32
        %mul3A_388 = arith.muli %scan3A_75, %mul3A_387 : i32
        %add3A_389 = arith.constant 5 : i32
        %add3A_390 = arith.addi %mul3A_388, %add3A_389 : i32
        %mul3A_391 = arith.constant 16 : i32
        %mul3A_392 = arith.muli %add3A_390, %mul3A_391 : i32
        %get3A_393 = arith.index_cast %mul3A_392 : i32 to index
        %get3A_394 = tpu.vector_load %arg18[%get3A_393] {strides = array<i32>} : memref<3200xi32, #tpu.memory_space<vmem>>, vector<16xi32>,
        %mul3A_395 = arith.constant 16 : i32
        %mul3A_396 = arith.muli %add3A_390, %mul3A_395 : i32
        %get3A_397 = arith.index_cast %mul3A_396 : i32 to index
        %get3A_398 = tpu.vector_load %arg19[%get3A_397] {strides = array<i32>} : memref<3200xi32, #tpu.memory_space<vmem>>, vector<16xi32>,
        %broadcast_in_dim3A_399 = arith.constant true
        %broadcast_in_dim3A_400 = vector.broadcast %broadcast_in_dim3A_399 : i1 to vector<16xi1>
        %unique3A_401, %unique3A_402 = tpu.scan_count mask(%broadcast_in_dim3A_400 : vector<16xi1>) value(%get3A_398 : vector<16xi32>) : vector<16xi1>, vector<16xi32>
        %eq3A_403 = arith.constant 1 : i32
        %eq3A_404 = vector.broadcast %eq3A_403 : i32 to vector<16xi32>
        %eq3A_405 = arith.cmpi eq, %unique3A_402, %eq3A_404 : vector<16xi32>
        %eq3A_406 = arith.constant 2 : i32
        %eq3A_407 = vector.broadcast %eq3A_406 : i32 to vector<16xi32>
        %eq3A_408 = arith.cmpi eq, %unique3A_402, %eq3A_407 : vector<16xi32>
        %ge3A_409 = arith.constant 3 : i32
        %ge3A_410 = vector.broadcast %ge3A_409 : i32 to vector<16xi32>
        %ge3A_411 = arith.cmpi sge, %unique3A_402, %ge3A_410 : vector<16xi32>
        %or3A_412 = arith.ori %or3A_348, %ge3A_411 : vector<16xi1>
        %ge3A_413 = vector.broadcast %mul3A_4 : i32 to vector<16xi32>
        %ge3A_414 = arith.cmpi sge, %get3A_398, %ge3A_413 : vector<16xi32>
        %add3A_415 = arith.constant 320 : i32
        %add3A_416 = arith.addi %mul3A_4, %add3A_415 : i32
        %lt3A_417 = vector.broadcast %add3A_416 : i32 to vector<16xi32>
        %lt3A_418 = arith.cmpi slt, %get3A_398, %lt3A_417 : vector<16xi32>
        %and3A_419 = arith.andi %ge3A_414, %lt3A_418 : vector<16xi1>
        %sub3A_420 = vector.broadcast %mul3A_4 : i32 to vector<16xi32>
        %sub3A_421 = arith.subi %get3A_398, %sub3A_420 : vector<16xi32>
        tpu.vector_store_idx %arg17[%sub3A_421], %broadcast_in_dim3A_9 masked %and3A_419 {add = true} : memref<320xf32, #tpu.memory_space<vmem>>[vector<16xi32>], vector<16xf32>, vector<16xi1>
        %gather3A_422 = tpu.vector_load_idx %arg8[%broadcast_in_dim3A_13, %get3A_394] : memref<4x10240xf32, #tpu.memory_space<vmem>>[vector<16xi32>, vector<16xi32>], vector<16xf32>,
        tpu.vector_store_idx %arg9[%get3A_398], %gather3A_422 {add = true} : memref<10240xf32, #tpu.memory_space<vmem>>[vector<16xi32>], vector<16xf32>,
        %gather3A_423 = tpu.vector_load_idx %arg13[%get3A_398] : memref<10240xf32, #tpu.memory_space<vmem>>[vector<16xi32>], vector<16xf32>,
        %max3A_424 = arith.maximumf %gather3A_423, %gather3A_422 : vector<16xf32>
        tpu.vector_store_idx %arg13[%get3A_398], %max3A_424 masked %eq3A_405 : memref<10240xf32, #tpu.memory_space<vmem>>[vector<16xi32>], vector<16xf32>, vector<16xi1>
        %gather3A_425 = tpu.vector_load_idx %arg8[%broadcast_in_dim3A_15, %get3A_394] : memref<4x10240xf32, #tpu.memory_space<vmem>>[vector<16xi32>, vector<16xi32>], vector<16xf32>,
        tpu.vector_store_idx %arg10[%get3A_398], %gather3A_425 {add = true} : memref<10240xf32, #tpu.memory_space<vmem>>[vector<16xi32>], vector<16xf32>,
        %gather3A_426 = tpu.vector_load_idx %arg14[%get3A_398] : memref<10240xf32, #tpu.memory_space<vmem>>[vector<16xi32>], vector<16xf32>,
        %max3A_427 = arith.maximumf %gather3A_426, %gather3A_425 : vector<16xf32>
        tpu.vector_store_idx %arg14[%get3A_398], %max3A_427 masked %eq3A_405 : memref<10240xf32, #tpu.memory_space<vmem>>[vector<16xi32>], vector<16xf32>, vector<16xi1>
        %gather3A_428 = tpu.vector_load_idx %arg8[%broadcast_in_dim3A_17, %get3A_394] : memref<4x10240xf32, #tpu.memory_space<vmem>>[vector<16xi32>, vector<16xi32>], vector<16xf32>,
        tpu.vector_store_idx %arg11[%get3A_398], %gather3A_428 {add = true} : memref<10240xf32, #tpu.memory_space<vmem>>[vector<16xi32>], vector<16xf32>,
        %gather3A_429 = tpu.vector_load_idx %arg15[%get3A_398] : memref<10240xf32, #tpu.memory_space<vmem>>[vector<16xi32>], vector<16xf32>,
        %max3A_430 = arith.maximumf %gather3A_429, %gather3A_428 : vector<16xf32>
        tpu.vector_store_idx %arg15[%get3A_398], %max3A_430 masked %eq3A_405 : memref<10240xf32, #tpu.memory_space<vmem>>[vector<16xi32>], vector<16xf32>, vector<16xi1>
        %gather3A_431 = tpu.vector_load_idx %arg8[%broadcast_in_dim3A_19, %get3A_394] : memref<4x10240xf32, #tpu.memory_space<vmem>>[vector<16xi32>, vector<16xi32>], vector<16xf32>,
        tpu.vector_store_idx %arg12[%get3A_398], %gather3A_431 {add = true} : memref<10240xf32, #tpu.memory_space<vmem>>[vector<16xi32>], vector<16xf32>,
        %gather3A_432 = tpu.vector_load_idx %arg16[%get3A_398] : memref<10240xf32, #tpu.memory_space<vmem>>[vector<16xi32>], vector<16xf32>,
        %max3A_433 = arith.maximumf %gather3A_432, %gather3A_431 : vector<16xf32>
        tpu.vector_store_idx %arg16[%get3A_398], %max3A_433 masked %eq3A_405 : memref<10240xf32, #tpu.memory_space<vmem>>[vector<16xi32>], vector<16xf32>, vector<16xi1>
        %ge3A_434 = arith.constant 2 : i32
        %ge3A_435 = vector.broadcast %ge3A_434 : i32 to vector<16xi32>
        %ge3A_436 = arith.cmpi sge, %unique3A_402, %ge3A_435 : vector<16xi32>
        %reduce_or3A_437 = arith.constant 1.000000e+00 : f32
        %reduce_or3A_438 = arith.constant 0.000000e+00 : f32
        %reduce_or3A_439 = vector.broadcast %reduce_or3A_437 : f32 to vector<16xf32>
        %reduce_or3A_440 = vector.broadcast %reduce_or3A_438 : f32 to vector<16xf32>
        %reduce_or3A_441 = arith.select %ge3A_436, %reduce_or3A_439, %reduce_or3A_440 : vector<16xi1>, vector<16xf32>
        %reduce_or3A_442 = arith.constant true
        %reduce_or3A_443 = vector.broadcast %reduce_or3A_442 : i1 to vector<16xi1>
        %reduce_or3A_444 = tpu.scan <max>, %reduce_or3A_441 masked %reduce_or3A_443 : vector<16xf32>, vector<16xi1> -> vector<16xf32>
        %reduce_or3A_445 = vector.extract %reduce_or3A_444[15] : f32 from vector<16xf32>
        %reduce_or3A_446 = arith.constant 0.000000e+00 : f32
        %reduce_or3A_447 = arith.cmpf ogt, %reduce_or3A_445, %reduce_or3A_446 : f32
        %convert_element_type3A_448 = arith.extui %reduce_or3A_447 : i1 to i32
        %cond3A_449 = arith.constant 0 : i32
        %cond3A_450 = arith.cmpi ne, %convert_element_type3A_448, %cond3A_449 : i32
        scf.if %cond3A_450 {
          %gather3A_579 = tpu.vector_load_idx %arg13[%get3A_398] masked %eq3A_408 : memref<10240xf32, #tpu.memory_space<vmem>>[vector<16xi32>], vector<16xf32>, vector<16xi1>
          %max3A_580 = arith.maximumf %gather3A_579, %gather3A_422 : vector<16xf32>
          tpu.vector_store_idx %arg13[%get3A_398], %max3A_580 masked %eq3A_408 : memref<10240xf32, #tpu.memory_space<vmem>>[vector<16xi32>], vector<16xf32>, vector<16xi1>
          %gather3A_581 = tpu.vector_load_idx %arg14[%get3A_398] masked %eq3A_408 : memref<10240xf32, #tpu.memory_space<vmem>>[vector<16xi32>], vector<16xf32>, vector<16xi1>
          %max3A_582 = arith.maximumf %gather3A_581, %gather3A_425 : vector<16xf32>
          tpu.vector_store_idx %arg14[%get3A_398], %max3A_582 masked %eq3A_408 : memref<10240xf32, #tpu.memory_space<vmem>>[vector<16xi32>], vector<16xf32>, vector<16xi1>
          %gather3A_583 = tpu.vector_load_idx %arg15[%get3A_398] masked %eq3A_408 : memref<10240xf32, #tpu.memory_space<vmem>>[vector<16xi32>], vector<16xf32>, vector<16xi1>
          %max3A_584 = arith.maximumf %gather3A_583, %gather3A_428 : vector<16xf32>
          tpu.vector_store_idx %arg15[%get3A_398], %max3A_584 masked %eq3A_408 : memref<10240xf32, #tpu.memory_space<vmem>>[vector<16xi32>], vector<16xf32>, vector<16xi1>
          %gather3A_585 = tpu.vector_load_idx %arg16[%get3A_398] masked %eq3A_408 : memref<10240xf32, #tpu.memory_space<vmem>>[vector<16xi32>], vector<16xf32>, vector<16xi1>
          %max3A_586 = arith.maximumf %gather3A_585, %gather3A_431 : vector<16xf32>
          tpu.vector_store_idx %arg16[%get3A_398], %max3A_586 masked %eq3A_408 : memref<10240xf32, #tpu.memory_space<vmem>>[vector<16xi32>], vector<16xf32>, vector<16xi1>
        } else {
        }
        %mul3A_451 = arith.constant 8 : i32
        %mul3A_452 = arith.muli %scan3A_75, %mul3A_451 : i32
        %add3A_453 = arith.constant 6 : i32
        %add3A_454 = arith.addi %mul3A_452, %add3A_453 : i32
        %mul3A_455 = arith.constant 16 : i32
        %mul3A_456 = arith.muli %add3A_454, %mul3A_455 : i32
        %get3A_457 = arith.index_cast %mul3A_456 : i32 to index
        %get3A_458 = tpu.vector_load %arg18[%get3A_457] {strides = array<i32>} : memref<3200xi32, #tpu.memory_space<vmem>>, vector<16xi32>,
        %mul3A_459 = arith.constant 16 : i32
        %mul3A_460 = arith.muli %add3A_454, %mul3A_459 : i32
        %get3A_461 = arith.index_cast %mul3A_460 : i32 to index
        %get3A_462 = tpu.vector_load %arg19[%get3A_461] {strides = array<i32>} : memref<3200xi32, #tpu.memory_space<vmem>>, vector<16xi32>,
        %broadcast_in_dim3A_463 = arith.constant true
        %broadcast_in_dim3A_464 = vector.broadcast %broadcast_in_dim3A_463 : i1 to vector<16xi1>
        %unique3A_465, %unique3A_466 = tpu.scan_count mask(%broadcast_in_dim3A_464 : vector<16xi1>) value(%get3A_462 : vector<16xi32>) : vector<16xi1>, vector<16xi32>
        %eq3A_467 = arith.constant 1 : i32
        %eq3A_468 = vector.broadcast %eq3A_467 : i32 to vector<16xi32>
        %eq3A_469 = arith.cmpi eq, %unique3A_466, %eq3A_468 : vector<16xi32>
        %eq3A_470 = arith.constant 2 : i32
        %eq3A_471 = vector.broadcast %eq3A_470 : i32 to vector<16xi32>
        %eq3A_472 = arith.cmpi eq, %unique3A_466, %eq3A_471 : vector<16xi32>
        %ge3A_473 = arith.constant 3 : i32
        %ge3A_474 = vector.broadcast %ge3A_473 : i32 to vector<16xi32>
        %ge3A_475 = arith.cmpi sge, %unique3A_466, %ge3A_474 : vector<16xi32>
        %or3A_476 = arith.ori %or3A_412, %ge3A_475 : vector<16xi1>
        %ge3A_477 = vector.broadcast %mul3A_4 : i32 to vector<16xi32>
        %ge3A_478 = arith.cmpi sge, %get3A_462, %ge3A_477 : vector<16xi32>
        %add3A_479 = arith.constant 320 : i32
        %add3A_480 = arith.addi %mul3A_4, %add3A_479 : i32
        %lt3A_481 = vector.broadcast %add3A_480 : i32 to vector<16xi32>
        %lt3A_482 = arith.cmpi slt, %get3A_462, %lt3A_481 : vector<16xi32>
        %and3A_483 = arith.andi %ge3A_478, %lt3A_482 : vector<16xi1>
        %sub3A_484 = vector.broadcast %mul3A_4 : i32 to vector<16xi32>
        %sub3A_485 = arith.subi %get3A_462, %sub3A_484 : vector<16xi32>
        tpu.vector_store_idx %arg17[%sub3A_485], %broadcast_in_dim3A_9 masked %and3A_483 {add = true} : memref<320xf32, #tpu.memory_space<vmem>>[vector<16xi32>], vector<16xf32>, vector<16xi1>
        %gather3A_486 = tpu.vector_load_idx %arg8[%broadcast_in_dim3A_13, %get3A_458] : memref<4x10240xf32, #tpu.memory_space<vmem>>[vector<16xi32>, vector<16xi32>], vector<16xf32>,
        tpu.vector_store_idx %arg9[%get3A_462], %gather3A_486 {add = true} : memref<10240xf32, #tpu.memory_space<vmem>>[vector<16xi32>], vector<16xf32>,
        %gather3A_487 = tpu.vector_load_idx %arg13[%get3A_462] : memref<10240xf32, #tpu.memory_space<vmem>>[vector<16xi32>], vector<16xf32>,
        %max3A_488 = arith.maximumf %gather3A_487, %gather3A_486 : vector<16xf32>
        tpu.vector_store_idx %arg13[%get3A_462], %max3A_488 masked %eq3A_469 : memref<10240xf32, #tpu.memory_space<vmem>>[vector<16xi32>], vector<16xf32>, vector<16xi1>
        %gather3A_489 = tpu.vector_load_idx %arg8[%broadcast_in_dim3A_15, %get3A_458] : memref<4x10240xf32, #tpu.memory_space<vmem>>[vector<16xi32>, vector<16xi32>], vector<16xf32>,
        tpu.vector_store_idx %arg10[%get3A_462], %gather3A_489 {add = true} : memref<10240xf32, #tpu.memory_space<vmem>>[vector<16xi32>], vector<16xf32>,
        %gather3A_490 = tpu.vector_load_idx %arg14[%get3A_462] : memref<10240xf32, #tpu.memory_space<vmem>>[vector<16xi32>], vector<16xf32>,
        %max3A_491 = arith.maximumf %gather3A_490, %gather3A_489 : vector<16xf32>
        tpu.vector_store_idx %arg14[%get3A_462], %max3A_491 masked %eq3A_469 : memref<10240xf32, #tpu.memory_space<vmem>>[vector<16xi32>], vector<16xf32>, vector<16xi1>
        %gather3A_492 = tpu.vector_load_idx %arg8[%broadcast_in_dim3A_17, %get3A_458] : memref<4x10240xf32, #tpu.memory_space<vmem>>[vector<16xi32>, vector<16xi32>], vector<16xf32>,
        tpu.vector_store_idx %arg11[%get3A_462], %gather3A_492 {add = true} : memref<10240xf32, #tpu.memory_space<vmem>>[vector<16xi32>], vector<16xf32>,
        %gather3A_493 = tpu.vector_load_idx %arg15[%get3A_462] : memref<10240xf32, #tpu.memory_space<vmem>>[vector<16xi32>], vector<16xf32>,
        %max3A_494 = arith.maximumf %gather3A_493, %gather3A_492 : vector<16xf32>
        tpu.vector_store_idx %arg15[%get3A_462], %max3A_494 masked %eq3A_469 : memref<10240xf32, #tpu.memory_space<vmem>>[vector<16xi32>], vector<16xf32>, vector<16xi1>
        %gather3A_495 = tpu.vector_load_idx %arg8[%broadcast_in_dim3A_19, %get3A_458] : memref<4x10240xf32, #tpu.memory_space<vmem>>[vector<16xi32>, vector<16xi32>], vector<16xf32>,
        tpu.vector_store_idx %arg12[%get3A_462], %gather3A_495 {add = true} : memref<10240xf32, #tpu.memory_space<vmem>>[vector<16xi32>], vector<16xf32>,
        %gather3A_496 = tpu.vector_load_idx %arg16[%get3A_462] : memref<10240xf32, #tpu.memory_space<vmem>>[vector<16xi32>], vector<16xf32>,
        %max3A_497 = arith.maximumf %gather3A_496, %gather3A_495 : vector<16xf32>
        tpu.vector_store_idx %arg16[%get3A_462], %max3A_497 masked %eq3A_469 : memref<10240xf32, #tpu.memory_space<vmem>>[vector<16xi32>], vector<16xf32>, vector<16xi1>
        %ge3A_498 = arith.constant 2 : i32
        %ge3A_499 = vector.broadcast %ge3A_498 : i32 to vector<16xi32>
        %ge3A_500 = arith.cmpi sge, %unique3A_466, %ge3A_499 : vector<16xi32>
        %reduce_or3A_501 = arith.constant 1.000000e+00 : f32
        %reduce_or3A_502 = arith.constant 0.000000e+00 : f32
        %reduce_or3A_503 = vector.broadcast %reduce_or3A_501 : f32 to vector<16xf32>
        %reduce_or3A_504 = vector.broadcast %reduce_or3A_502 : f32 to vector<16xf32>
        %reduce_or3A_505 = arith.select %ge3A_500, %reduce_or3A_503, %reduce_or3A_504 : vector<16xi1>, vector<16xf32>
        %reduce_or3A_506 = arith.constant true
        %reduce_or3A_507 = vector.broadcast %reduce_or3A_506 : i1 to vector<16xi1>
        %reduce_or3A_508 = tpu.scan <max>, %reduce_or3A_505 masked %reduce_or3A_507 : vector<16xf32>, vector<16xi1> -> vector<16xf32>
        %reduce_or3A_509 = vector.extract %reduce_or3A_508[15] : f32 from vector<16xf32>
        %reduce_or3A_510 = arith.constant 0.000000e+00 : f32
        %reduce_or3A_511 = arith.cmpf ogt, %reduce_or3A_509, %reduce_or3A_510 : f32
        %convert_element_type3A_512 = arith.extui %reduce_or3A_511 : i1 to i32
        %cond3A_513 = arith.constant 0 : i32
        %cond3A_514 = arith.cmpi ne, %convert_element_type3A_512, %cond3A_513 : i32
        scf.if %cond3A_514 {
          %gather3A_579 = tpu.vector_load_idx %arg13[%get3A_462] masked %eq3A_472 : memref<10240xf32, #tpu.memory_space<vmem>>[vector<16xi32>], vector<16xf32>, vector<16xi1>
          %max3A_580 = arith.maximumf %gather3A_579, %gather3A_486 : vector<16xf32>
          tpu.vector_store_idx %arg13[%get3A_462], %max3A_580 masked %eq3A_472 : memref<10240xf32, #tpu.memory_space<vmem>>[vector<16xi32>], vector<16xf32>, vector<16xi1>
          %gather3A_581 = tpu.vector_load_idx %arg14[%get3A_462] masked %eq3A_472 : memref<10240xf32, #tpu.memory_space<vmem>>[vector<16xi32>], vector<16xf32>, vector<16xi1>
          %max3A_582 = arith.maximumf %gather3A_581, %gather3A_489 : vector<16xf32>
          tpu.vector_store_idx %arg14[%get3A_462], %max3A_582 masked %eq3A_472 : memref<10240xf32, #tpu.memory_space<vmem>>[vector<16xi32>], vector<16xf32>, vector<16xi1>
          %gather3A_583 = tpu.vector_load_idx %arg15[%get3A_462] masked %eq3A_472 : memref<10240xf32, #tpu.memory_space<vmem>>[vector<16xi32>], vector<16xf32>, vector<16xi1>
          %max3A_584 = arith.maximumf %gather3A_583, %gather3A_492 : vector<16xf32>
          tpu.vector_store_idx %arg15[%get3A_462], %max3A_584 masked %eq3A_472 : memref<10240xf32, #tpu.memory_space<vmem>>[vector<16xi32>], vector<16xf32>, vector<16xi1>
          %gather3A_585 = tpu.vector_load_idx %arg16[%get3A_462] masked %eq3A_472 : memref<10240xf32, #tpu.memory_space<vmem>>[vector<16xi32>], vector<16xf32>, vector<16xi1>
          %max3A_586 = arith.maximumf %gather3A_585, %gather3A_495 : vector<16xf32>
          tpu.vector_store_idx %arg16[%get3A_462], %max3A_586 masked %eq3A_472 : memref<10240xf32, #tpu.memory_space<vmem>>[vector<16xi32>], vector<16xf32>, vector<16xi1>
        } else {
        }
        %mul3A_515 = arith.constant 8 : i32
        %mul3A_516 = arith.muli %scan3A_75, %mul3A_515 : i32
        %add3A_517 = arith.constant 7 : i32
        %add3A_518 = arith.addi %mul3A_516, %add3A_517 : i32
        %mul3A_519 = arith.constant 16 : i32
        %mul3A_520 = arith.muli %add3A_518, %mul3A_519 : i32
        %get3A_521 = arith.index_cast %mul3A_520 : i32 to index
        %get3A_522 = tpu.vector_load %arg18[%get3A_521] {strides = array<i32>} : memref<3200xi32, #tpu.memory_space<vmem>>, vector<16xi32>,
        %mul3A_523 = arith.constant 16 : i32
        %mul3A_524 = arith.muli %add3A_518, %mul3A_523 : i32
        %get3A_525 = arith.index_cast %mul3A_524 : i32 to index
        %get3A_526 = tpu.vector_load %arg19[%get3A_525] {strides = array<i32>} : memref<3200xi32, #tpu.memory_space<vmem>>, vector<16xi32>,
        %broadcast_in_dim3A_527 = arith.constant true
        %broadcast_in_dim3A_528 = vector.broadcast %broadcast_in_dim3A_527 : i1 to vector<16xi1>
        %unique3A_529, %unique3A_530 = tpu.scan_count mask(%broadcast_in_dim3A_528 : vector<16xi1>) value(%get3A_526 : vector<16xi32>) : vector<16xi1>, vector<16xi32>
        %eq3A_531 = arith.constant 1 : i32
        %eq3A_532 = vector.broadcast %eq3A_531 : i32 to vector<16xi32>
        %eq3A_533 = arith.cmpi eq, %unique3A_530, %eq3A_532 : vector<16xi32>
        %eq3A_534 = arith.constant 2 : i32
        %eq3A_535 = vector.broadcast %eq3A_534 : i32 to vector<16xi32>
        %eq3A_536 = arith.cmpi eq, %unique3A_530, %eq3A_535 : vector<16xi32>
        %ge3A_537 = arith.constant 3 : i32
        %ge3A_538 = vector.broadcast %ge3A_537 : i32 to vector<16xi32>
        %ge3A_539 = arith.cmpi sge, %unique3A_530, %ge3A_538 : vector<16xi32>
        %or3A_540 = arith.ori %or3A_476, %ge3A_539 : vector<16xi1>
        %ge3A_541 = vector.broadcast %mul3A_4 : i32 to vector<16xi32>
        %ge3A_542 = arith.cmpi sge, %get3A_526, %ge3A_541 : vector<16xi32>
        %add3A_543 = arith.constant 320 : i32
        %add3A_544 = arith.addi %mul3A_4, %add3A_543 : i32
        %lt3A_545 = vector.broadcast %add3A_544 : i32 to vector<16xi32>
        %lt3A_546 = arith.cmpi slt, %get3A_526, %lt3A_545 : vector<16xi32>
        %and3A_547 = arith.andi %ge3A_542, %lt3A_546 : vector<16xi1>
        %sub3A_548 = vector.broadcast %mul3A_4 : i32 to vector<16xi32>
        %sub3A_549 = arith.subi %get3A_526, %sub3A_548 : vector<16xi32>
        tpu.vector_store_idx %arg17[%sub3A_549], %broadcast_in_dim3A_9 masked %and3A_547 {add = true} : memref<320xf32, #tpu.memory_space<vmem>>[vector<16xi32>], vector<16xf32>, vector<16xi1>
        %gather3A_550 = tpu.vector_load_idx %arg8[%broadcast_in_dim3A_13, %get3A_522] : memref<4x10240xf32, #tpu.memory_space<vmem>>[vector<16xi32>, vector<16xi32>], vector<16xf32>,
        tpu.vector_store_idx %arg9[%get3A_526], %gather3A_550 {add = true} : memref<10240xf32, #tpu.memory_space<vmem>>[vector<16xi32>], vector<16xf32>,
        %gather3A_551 = tpu.vector_load_idx %arg13[%get3A_526] : memref<10240xf32, #tpu.memory_space<vmem>>[vector<16xi32>], vector<16xf32>,
        %max3A_552 = arith.maximumf %gather3A_551, %gather3A_550 : vector<16xf32>
        tpu.vector_store_idx %arg13[%get3A_526], %max3A_552 masked %eq3A_533 : memref<10240xf32, #tpu.memory_space<vmem>>[vector<16xi32>], vector<16xf32>, vector<16xi1>
        %gather3A_553 = tpu.vector_load_idx %arg8[%broadcast_in_dim3A_15, %get3A_522] : memref<4x10240xf32, #tpu.memory_space<vmem>>[vector<16xi32>, vector<16xi32>], vector<16xf32>,
        tpu.vector_store_idx %arg10[%get3A_526], %gather3A_553 {add = true} : memref<10240xf32, #tpu.memory_space<vmem>>[vector<16xi32>], vector<16xf32>,
        %gather3A_554 = tpu.vector_load_idx %arg14[%get3A_526] : memref<10240xf32, #tpu.memory_space<vmem>>[vector<16xi32>], vector<16xf32>,
        %max3A_555 = arith.maximumf %gather3A_554, %gather3A_553 : vector<16xf32>
        tpu.vector_store_idx %arg14[%get3A_526], %max3A_555 masked %eq3A_533 : memref<10240xf32, #tpu.memory_space<vmem>>[vector<16xi32>], vector<16xf32>, vector<16xi1>
        %gather3A_556 = tpu.vector_load_idx %arg8[%broadcast_in_dim3A_17, %get3A_522] : memref<4x10240xf32, #tpu.memory_space<vmem>>[vector<16xi32>, vector<16xi32>], vector<16xf32>,
        tpu.vector_store_idx %arg11[%get3A_526], %gather3A_556 {add = true} : memref<10240xf32, #tpu.memory_space<vmem>>[vector<16xi32>], vector<16xf32>,
        %gather3A_557 = tpu.vector_load_idx %arg15[%get3A_526] : memref<10240xf32, #tpu.memory_space<vmem>>[vector<16xi32>], vector<16xf32>,
        %max3A_558 = arith.maximumf %gather3A_557, %gather3A_556 : vector<16xf32>
        tpu.vector_store_idx %arg15[%get3A_526], %max3A_558 masked %eq3A_533 : memref<10240xf32, #tpu.memory_space<vmem>>[vector<16xi32>], vector<16xf32>, vector<16xi1>
        %gather3A_559 = tpu.vector_load_idx %arg8[%broadcast_in_dim3A_19, %get3A_522] : memref<4x10240xf32, #tpu.memory_space<vmem>>[vector<16xi32>, vector<16xi32>], vector<16xf32>,
        tpu.vector_store_idx %arg12[%get3A_526], %gather3A_559 {add = true} : memref<10240xf32, #tpu.memory_space<vmem>>[vector<16xi32>], vector<16xf32>,
        %gather3A_560 = tpu.vector_load_idx %arg16[%get3A_526] : memref<10240xf32, #tpu.memory_space<vmem>>[vector<16xi32>], vector<16xf32>,
        %max3A_561 = arith.maximumf %gather3A_560, %gather3A_559 : vector<16xf32>
        tpu.vector_store_idx %arg16[%get3A_526], %max3A_561 masked %eq3A_533 : memref<10240xf32, #tpu.memory_space<vmem>>[vector<16xi32>], vector<16xf32>, vector<16xi1>
        %ge3A_562 = arith.constant 2 : i32
        %ge3A_563 = vector.broadcast %ge3A_562 : i32 to vector<16xi32>
        %ge3A_564 = arith.cmpi sge, %unique3A_530, %ge3A_563 : vector<16xi32>
        %reduce_or3A_565 = arith.constant 1.000000e+00 : f32
        %reduce_or3A_566 = arith.constant 0.000000e+00 : f32
        %reduce_or3A_567 = vector.broadcast %reduce_or3A_565 : f32 to vector<16xf32>
        %reduce_or3A_568 = vector.broadcast %reduce_or3A_566 : f32 to vector<16xf32>
        %reduce_or3A_569 = arith.select %ge3A_564, %reduce_or3A_567, %reduce_or3A_568 : vector<16xi1>, vector<16xf32>
        %reduce_or3A_570 = arith.constant true
        %reduce_or3A_571 = vector.broadcast %reduce_or3A_570 : i1 to vector<16xi1>
        %reduce_or3A_572 = tpu.scan <max>, %reduce_or3A_569 masked %reduce_or3A_571 : vector<16xf32>, vector<16xi1> -> vector<16xf32>
        %reduce_or3A_573 = vector.extract %reduce_or3A_572[15] : f32 from vector<16xf32>
        %reduce_or3A_574 = arith.constant 0.000000e+00 : f32
        %reduce_or3A_575 = arith.cmpf ogt, %reduce_or3A_573, %reduce_or3A_574 : f32
        %convert_element_type3A_576 = arith.extui %reduce_or3A_575 : i1 to i32
        %cond3A_577 = arith.constant 0 : i32
        %cond3A_578 = arith.cmpi ne, %convert_element_type3A_576, %cond3A_577 : i32
        scf.if %cond3A_578 {
          %gather3A_579 = tpu.vector_load_idx %arg13[%get3A_526] masked %eq3A_536 : memref<10240xf32, #tpu.memory_space<vmem>>[vector<16xi32>], vector<16xf32>, vector<16xi1>
          %max3A_580 = arith.maximumf %gather3A_579, %gather3A_550 : vector<16xf32>
          tpu.vector_store_idx %arg13[%get3A_526], %max3A_580 masked %eq3A_536 : memref<10240xf32, #tpu.memory_space<vmem>>[vector<16xi32>], vector<16xf32>, vector<16xi1>
          %gather3A_581 = tpu.vector_load_idx %arg14[%get3A_526] masked %eq3A_536 : memref<10240xf32, #tpu.memory_space<vmem>>[vector<16xi32>], vector<16xf32>, vector<16xi1>
          %max3A_582 = arith.maximumf %gather3A_581, %gather3A_553 : vector<16xf32>
          tpu.vector_store_idx %arg14[%get3A_526], %max3A_582 masked %eq3A_536 : memref<10240xf32, #tpu.memory_space<vmem>>[vector<16xi32>], vector<16xf32>, vector<16xi1>
          %gather3A_583 = tpu.vector_load_idx %arg15[%get3A_526] masked %eq3A_536 : memref<10240xf32, #tpu.memory_space<vmem>>[vector<16xi32>], vector<16xf32>, vector<16xi1>
          %max3A_584 = arith.maximumf %gather3A_583, %gather3A_556 : vector<16xf32>
          tpu.vector_store_idx %arg15[%get3A_526], %max3A_584 masked %eq3A_536 : memref<10240xf32, #tpu.memory_space<vmem>>[vector<16xi32>], vector<16xf32>, vector<16xi1>
          %gather3A_585 = tpu.vector_load_idx %arg16[%get3A_526] masked %eq3A_536 : memref<10240xf32, #tpu.memory_space<vmem>>[vector<16xi32>], vector<16xf32>, vector<16xi1>
          %max3A_586 = arith.maximumf %gather3A_585, %gather3A_559 : vector<16xf32>
          tpu.vector_store_idx %arg16[%get3A_526], %max3A_586 masked %eq3A_536 : memref<10240xf32, #tpu.memory_space<vmem>>[vector<16xi32>], vector<16xf32>, vector<16xi1>
        } else {
        }
        scf.yield %or3A_540 : vector<16xi1>
      }
      %scan3A_63 = arith.constant 25 : i32
      %reduce_or3A = arith.constant 1.000000e+00 : f32
      %reduce_or3A_64 = arith.constant 0.000000e+00 : f32
      %reduce_or3A_65 = vector.broadcast %reduce_or3A : f32 to vector<16xf32>
      %reduce_or3A_66 = vector.broadcast %reduce_or3A_64 : f32 to vector<16xf32>
      %reduce_or3A_67 = arith.select %scan3A_62, %reduce_or3A_65, %reduce_or3A_66 : vector<16xi1>, vector<16xf32>
      %reduce_or3A_68 = arith.constant true
      %reduce_or3A_69 = vector.broadcast %reduce_or3A_68 : i1 to vector<16xi1>
      %reduce_or3A_70 = tpu.scan <max>, %reduce_or3A_67 masked %reduce_or3A_69 : vector<16xf32>, vector<16xi1> -> vector<16xf32>
      %reduce_or3A_71 = vector.extract %reduce_or3A_70[15] : f32 from vector<16xf32>
      %reduce_or3A_72 = arith.constant 0.000000e+00 : f32
      %reduce_or3A_73 = arith.cmpf ogt, %reduce_or3A_71, %reduce_or3A_72 : f32
      %convert_element_type3A = arith.extui %reduce_or3A_73 : i1 to i32
      %cond3A = arith.constant 0 : i32
      %cond3A_74 = arith.cmpi ne, %convert_element_type3A, %cond3A : i32
      scf.if %cond3A_74 {
        %scan3A_75 = arith.constant 0 : i32
        %scan3A_76 = arith.constant 0 : i32
        %scan3A_77 = arith.constant 200 : i32
        %scan3A_78 = arith.addi %scan3A_76, %scan3A_77 : i32
        %scan3A_79 = arith.constant 1 : i32
        scf.for %scan3A_81 = %scan3A_76 to %scan3A_78 step %scan3A_79  : i32 {
          %mul3A_82 = arith.constant 16 : i32
          %mul3A_83 = arith.muli %scan3A_81, %mul3A_82 : i32
          %get3A = arith.index_cast %mul3A_83 : i32 to index
          %get3A_84 = tpu.vector_load %arg18[%get3A] {strides = array<i32>} : memref<3200xi32, #tpu.memory_space<vmem>>, vector<16xi32>,
          %mul3A_85 = arith.constant 16 : i32
          %mul3A_86 = arith.muli %scan3A_81, %mul3A_85 : i32
          %get3A_87 = arith.index_cast %mul3A_86 : i32 to index
          %get3A_88 = tpu.vector_load %arg19[%get3A_87] {strides = array<i32>} : memref<3200xi32, #tpu.memory_space<vmem>>, vector<16xi32>,
          %gather3A = tpu.vector_load_idx %arg8[%broadcast_in_dim3A_13, %get3A_84] : memref<4x10240xf32, #tpu.memory_space<vmem>>[vector<16xi32>, vector<16xi32>], vector<16xf32>,
          %scan3A_89 = arith.constant 0 : i32
          %scan3A_90 = arith.constant 0 : i32
          %scan3A_91 = arith.constant 16 : i32
          %scan3A_92 = arith.addi %scan3A_90, %scan3A_91 : i32
          %scan3A_93 = arith.constant 1 : i32
          scf.for %scan3A_116 = %scan3A_90 to %scan3A_92 step %scan3A_93  : i32 {
            %eq3A = vector.broadcast %scan3A_116 : i32 to vector<16xi32>
            %eq3A_117 = arith.cmpi eq, %iota3A, %eq3A : vector<16xi32>
            %gather3A_118 = tpu.vector_load_idx %arg13[%get3A_88] masked %eq3A_117 : memref<10240xf32, #tpu.memory_space<vmem>>[vector<16xi32>], vector<16xf32>, vector<16xi1>
            %max3A = arith.maximumf %gather3A_118, %gather3A : vector<16xf32>
            tpu.vector_store_idx %arg13[%get3A_88], %max3A masked %eq3A_117 : memref<10240xf32, #tpu.memory_space<vmem>>[vector<16xi32>], vector<16xf32>, vector<16xi1>
          }
          %scan3A_94 = arith.constant 16 : i32
          %gather3A_95 = tpu.vector_load_idx %arg8[%broadcast_in_dim3A_15, %get3A_84] : memref<4x10240xf32, #tpu.memory_space<vmem>>[vector<16xi32>, vector<16xi32>], vector<16xf32>,
          %scan3A_96 = arith.constant 0 : i32
          %scan3A_97 = arith.constant 0 : i32
          %scan3A_98 = arith.constant 16 : i32
          %scan3A_99 = arith.addi %scan3A_97, %scan3A_98 : i32
          %scan3A_100 = arith.constant 1 : i32
          scf.for %scan3A_116 = %scan3A_97 to %scan3A_99 step %scan3A_100  : i32 {
            %eq3A = vector.broadcast %scan3A_116 : i32 to vector<16xi32>
            %eq3A_117 = arith.cmpi eq, %iota3A, %eq3A : vector<16xi32>
            %gather3A_118 = tpu.vector_load_idx %arg14[%get3A_88] masked %eq3A_117 : memref<10240xf32, #tpu.memory_space<vmem>>[vector<16xi32>], vector<16xf32>, vector<16xi1>
            %max3A = arith.maximumf %gather3A_118, %gather3A_95 : vector<16xf32>
            tpu.vector_store_idx %arg14[%get3A_88], %max3A masked %eq3A_117 : memref<10240xf32, #tpu.memory_space<vmem>>[vector<16xi32>], vector<16xf32>, vector<16xi1>
          }
          %scan3A_101 = arith.constant 16 : i32
          %gather3A_102 = tpu.vector_load_idx %arg8[%broadcast_in_dim3A_17, %get3A_84] : memref<4x10240xf32, #tpu.memory_space<vmem>>[vector<16xi32>, vector<16xi32>], vector<16xf32>,
          %scan3A_103 = arith.constant 0 : i32
          %scan3A_104 = arith.constant 0 : i32
          %scan3A_105 = arith.constant 16 : i32
          %scan3A_106 = arith.addi %scan3A_104, %scan3A_105 : i32
          %scan3A_107 = arith.constant 1 : i32
          scf.for %scan3A_116 = %scan3A_104 to %scan3A_106 step %scan3A_107  : i32 {
            %eq3A = vector.broadcast %scan3A_116 : i32 to vector<16xi32>
            %eq3A_117 = arith.cmpi eq, %iota3A, %eq3A : vector<16xi32>
            %gather3A_118 = tpu.vector_load_idx %arg15[%get3A_88] masked %eq3A_117 : memref<10240xf32, #tpu.memory_space<vmem>>[vector<16xi32>], vector<16xf32>, vector<16xi1>
            %max3A = arith.maximumf %gather3A_118, %gather3A_102 : vector<16xf32>
            tpu.vector_store_idx %arg15[%get3A_88], %max3A masked %eq3A_117 : memref<10240xf32, #tpu.memory_space<vmem>>[vector<16xi32>], vector<16xf32>, vector<16xi1>
          }
          %scan3A_108 = arith.constant 16 : i32
          %gather3A_109 = tpu.vector_load_idx %arg8[%broadcast_in_dim3A_19, %get3A_84] : memref<4x10240xf32, #tpu.memory_space<vmem>>[vector<16xi32>, vector<16xi32>], vector<16xf32>,
          %scan3A_110 = arith.constant 0 : i32
          %scan3A_111 = arith.constant 0 : i32
          %scan3A_112 = arith.constant 16 : i32
          %scan3A_113 = arith.addi %scan3A_111, %scan3A_112 : i32
          %scan3A_114 = arith.constant 1 : i32
          scf.for %scan3A_116 = %scan3A_111 to %scan3A_113 step %scan3A_114  : i32 {
            %eq3A = vector.broadcast %scan3A_116 : i32 to vector<16xi32>
            %eq3A_117 = arith.cmpi eq, %iota3A, %eq3A : vector<16xi32>
            %gather3A_118 = tpu.vector_load_idx %arg16[%get3A_88] masked %eq3A_117 : memref<10240xf32, #tpu.memory_space<vmem>>[vector<16xi32>], vector<16xf32>, vector<16xi1>
            %max3A = arith.maximumf %gather3A_118, %gather3A_109 : vector<16xf32>
            tpu.vector_store_idx %arg16[%get3A_88], %max3A masked %eq3A_117 : memref<10240xf32, #tpu.memory_space<vmem>>[vector<16xi32>], vector<16xf32>, vector<16xi1>
          }
          %scan3A_115 = arith.constant 16 : i32
        }
        %scan3A_80 = arith.constant 200 : i32
      } else {
      }
    }
    %scan3A_36 = arith.constant 100 : i32
    %add3A_37 = arith.constant 0 : i32
    %add3A_38 = arith.addi %mul3A_2, %add3A_37 : i32
    "tpu.region"() ({
      %run_scoped3A = tpu.sem_alloc : memref<!tpu.dma_semaphore, #tpu.memory_space<semaphore_mem>>
      %dma_start3A = arith.constant 0 : i32
      %dma_start3A_53 = tpu.memref_slice %arg5[%add3A_38, %dma_start3A] : memref<128x10240xf32, #tpu.memory_space<hbm>> -> memref<1x10240xf32, #tpu.memory_space<hbm>>
      %dma_start3A_54 = tpu.memref_squeeze %dma_start3A_53 : memref<1x10240xf32, #tpu.memory_space<hbm>> -> memref<10240xf32, #tpu.memory_space<hbm>>
      %dma_start3A_55 = arith.constant 0 : i32
      %dma_start3A_56 = tpu.memref_slice %arg5[%add3A_38, %dma_start3A_55] : memref<128x10240xf32, #tpu.memory_space<hbm>> -> memref<1x10240xf32, #tpu.memory_space<hbm>>
      %dma_start3A_57 = tpu.memref_squeeze %dma_start3A_56 : memref<1x10240xf32, #tpu.memory_space<hbm>> -> memref<10240xf32, #tpu.memory_space<hbm>>
      tpu.enqueue_dma source(%arg9 : memref<10240xf32, #tpu.memory_space<vmem>>) target(%dma_start3A_57 : memref<10240xf32, #tpu.memory_space<hbm>>) target_semaphore(%run_scoped3A : memref<!tpu.dma_semaphore, #tpu.memory_space<semaphore_mem>>)
      %dma_wait3A = arith.constant 0 : i32
      %dma_wait3A_58 = tpu.memref_slice %arg5[%add3A_38, %dma_wait3A] : memref<128x10240xf32, #tpu.memory_space<hbm>> -> memref<1x10240xf32, #tpu.memory_space<hbm>>
      %dma_wait3A_59 = tpu.memref_squeeze %dma_wait3A_58 : memref<1x10240xf32, #tpu.memory_space<hbm>> -> memref<10240xf32, #tpu.memory_space<hbm>>
      %dma_wait3A_60 = arith.constant 0 : i32
      %dma_wait3A_61 = tpu.memref_slice %arg5[%add3A_38, %dma_wait3A_60] : memref<128x10240xf32, #tpu.memory_space<hbm>> -> memref<1x10240xf32, #tpu.memory_space<hbm>>
      %dma_wait3A_62 = tpu.memref_squeeze %dma_wait3A_61 : memref<1x10240xf32, #tpu.memory_space<hbm>> -> memref<10240xf32, #tpu.memory_space<hbm>>
      tpu.wait_dma2 semaphore(%run_scoped3A : memref<!tpu.dma_semaphore, #tpu.memory_space<semaphore_mem>>) src(%arg9 : memref<10240xf32, #tpu.memory_space<vmem>>) dst(%dma_wait3A_62 : memref<10240xf32, #tpu.memory_space<hbm>>)
      tpu.yield
    }) : () -> ()
    %add3A_39 = arith.constant 0 : i32
    %add3A_40 = arith.addi %mul3A_2, %add3A_39 : i32
    "tpu.region"() ({
      %run_scoped3A = tpu.sem_alloc : memref<!tpu.dma_semaphore, #tpu.memory_space<semaphore_mem>>
      %dma_start3A = arith.constant 0 : i32
      %dma_start3A_53 = tpu.memref_slice %arg6[%add3A_40, %dma_start3A] : memref<128x10240xf32, #tpu.memory_space<hbm>> -> memref<1x10240xf32, #tpu.memory_space<hbm>>
      %dma_start3A_54 = tpu.memref_squeeze %dma_start3A_53 : memref<1x10240xf32, #tpu.memory_space<hbm>> -> memref<10240xf32, #tpu.memory_space<hbm>>
      %dma_start3A_55 = arith.constant 0 : i32
      %dma_start3A_56 = tpu.memref_slice %arg6[%add3A_40, %dma_start3A_55] : memref<128x10240xf32, #tpu.memory_space<hbm>> -> memref<1x10240xf32, #tpu.memory_space<hbm>>
      %dma_start3A_57 = tpu.memref_squeeze %dma_start3A_56 : memref<1x10240xf32, #tpu.memory_space<hbm>> -> memref<10240xf32, #tpu.memory_space<hbm>>
      tpu.enqueue_dma source(%arg13 : memref<10240xf32, #tpu.memory_space<vmem>>) target(%dma_start3A_57 : memref<10240xf32, #tpu.memory_space<hbm>>) target_semaphore(%run_scoped3A : memref<!tpu.dma_semaphore, #tpu.memory_space<semaphore_mem>>)
      %dma_wait3A = arith.constant 0 : i32
      %dma_wait3A_58 = tpu.memref_slice %arg6[%add3A_40, %dma_wait3A] : memref<128x10240xf32, #tpu.memory_space<hbm>> -> memref<1x10240xf32, #tpu.memory_space<hbm>>
      %dma_wait3A_59 = tpu.memref_squeeze %dma_wait3A_58 : memref<1x10240xf32, #tpu.memory_space<hbm>> -> memref<10240xf32, #tpu.memory_space<hbm>>
      %dma_wait3A_60 = arith.constant 0 : i32
      %dma_wait3A_61 = tpu.memref_slice %arg6[%add3A_40, %dma_wait3A_60] : memref<128x10240xf32, #tpu.memory_space<hbm>> -> memref<1x10240xf32, #tpu.memory_space<hbm>>
      %dma_wait3A_62 = tpu.memref_squeeze %dma_wait3A_61 : memref<1x10240xf32, #tpu.memory_space<hbm>> -> memref<10240xf32, #tpu.memory_space<hbm>>
      tpu.wait_dma2 semaphore(%run_scoped3A : memref<!tpu.dma_semaphore, #tpu.memory_space<semaphore_mem>>) src(%arg13 : memref<10240xf32, #tpu.memory_space<vmem>>) dst(%dma_wait3A_62 : memref<10240xf32, #tpu.memory_space<hbm>>)
      tpu.yield
    }) : () -> ()
    %add3A_41 = arith.constant 1 : i32
    %add3A_42 = arith.addi %mul3A_2, %add3A_41 : i32
    "tpu.region"() ({
      %run_scoped3A = tpu.sem_alloc : memref<!tpu.dma_semaphore, #tpu.memory_space<semaphore_mem>>
      %dma_start3A = arith.constant 0 : i32
      %dma_start3A_53 = tpu.memref_slice %arg5[%add3A_42, %dma_start3A] : memref<128x10240xf32, #tpu.memory_space<hbm>> -> memref<1x10240xf32, #tpu.memory_space<hbm>>
      %dma_start3A_54 = tpu.memref_squeeze %dma_start3A_53 : memref<1x10240xf32, #tpu.memory_space<hbm>> -> memref<10240xf32, #tpu.memory_space<hbm>>
      %dma_start3A_55 = arith.constant 0 : i32
      %dma_start3A_56 = tpu.memref_slice %arg5[%add3A_42, %dma_start3A_55] : memref<128x10240xf32, #tpu.memory_space<hbm>> -> memref<1x10240xf32, #tpu.memory_space<hbm>>
      %dma_start3A_57 = tpu.memref_squeeze %dma_start3A_56 : memref<1x10240xf32, #tpu.memory_space<hbm>> -> memref<10240xf32, #tpu.memory_space<hbm>>
      tpu.enqueue_dma source(%arg10 : memref<10240xf32, #tpu.memory_space<vmem>>) target(%dma_start3A_57 : memref<10240xf32, #tpu.memory_space<hbm>>) target_semaphore(%run_scoped3A : memref<!tpu.dma_semaphore, #tpu.memory_space<semaphore_mem>>)
      %dma_wait3A = arith.constant 0 : i32
      %dma_wait3A_58 = tpu.memref_slice %arg5[%add3A_42, %dma_wait3A] : memref<128x10240xf32, #tpu.memory_space<hbm>> -> memref<1x10240xf32, #tpu.memory_space<hbm>>
      %dma_wait3A_59 = tpu.memref_squeeze %dma_wait3A_58 : memref<1x10240xf32, #tpu.memory_space<hbm>> -> memref<10240xf32, #tpu.memory_space<hbm>>
      %dma_wait3A_60 = arith.constant 0 : i32
      %dma_wait3A_61 = tpu.memref_slice %arg5[%add3A_42, %dma_wait3A_60] : memref<128x10240xf32, #tpu.memory_space<hbm>> -> memref<1x10240xf32, #tpu.memory_space<hbm>>
      %dma_wait3A_62 = tpu.memref_squeeze %dma_wait3A_61 : memref<1x10240xf32, #tpu.memory_space<hbm>> -> memref<10240xf32, #tpu.memory_space<hbm>>
      tpu.wait_dma2 semaphore(%run_scoped3A : memref<!tpu.dma_semaphore, #tpu.memory_space<semaphore_mem>>) src(%arg10 : memref<10240xf32, #tpu.memory_space<vmem>>) dst(%dma_wait3A_62 : memref<10240xf32, #tpu.memory_space<hbm>>)
      tpu.yield
    }) : () -> ()
    %add3A_43 = arith.constant 1 : i32
    %add3A_44 = arith.addi %mul3A_2, %add3A_43 : i32
    "tpu.region"() ({
      %run_scoped3A = tpu.sem_alloc : memref<!tpu.dma_semaphore, #tpu.memory_space<semaphore_mem>>
      %dma_start3A = arith.constant 0 : i32
      %dma_start3A_53 = tpu.memref_slice %arg6[%add3A_44, %dma_start3A] : memref<128x10240xf32, #tpu.memory_space<hbm>> -> memref<1x10240xf32, #tpu.memory_space<hbm>>
      %dma_start3A_54 = tpu.memref_squeeze %dma_start3A_53 : memref<1x10240xf32, #tpu.memory_space<hbm>> -> memref<10240xf32, #tpu.memory_space<hbm>>
      %dma_start3A_55 = arith.constant 0 : i32
      %dma_start3A_56 = tpu.memref_slice %arg6[%add3A_44, %dma_start3A_55] : memref<128x10240xf32, #tpu.memory_space<hbm>> -> memref<1x10240xf32, #tpu.memory_space<hbm>>
      %dma_start3A_57 = tpu.memref_squeeze %dma_start3A_56 : memref<1x10240xf32, #tpu.memory_space<hbm>> -> memref<10240xf32, #tpu.memory_space<hbm>>
      tpu.enqueue_dma source(%arg14 : memref<10240xf32, #tpu.memory_space<vmem>>) target(%dma_start3A_57 : memref<10240xf32, #tpu.memory_space<hbm>>) target_semaphore(%run_scoped3A : memref<!tpu.dma_semaphore, #tpu.memory_space<semaphore_mem>>)
      %dma_wait3A = arith.constant 0 : i32
      %dma_wait3A_58 = tpu.memref_slice %arg6[%add3A_44, %dma_wait3A] : memref<128x10240xf32, #tpu.memory_space<hbm>> -> memref<1x10240xf32, #tpu.memory_space<hbm>>
      %dma_wait3A_59 = tpu.memref_squeeze %dma_wait3A_58 : memref<1x10240xf32, #tpu.memory_space<hbm>> -> memref<10240xf32, #tpu.memory_space<hbm>>
      %dma_wait3A_60 = arith.constant 0 : i32
      %dma_wait3A_61 = tpu.memref_slice %arg6[%add3A_44, %dma_wait3A_60] : memref<128x10240xf32, #tpu.memory_space<hbm>> -> memref<1x10240xf32, #tpu.memory_space<hbm>>
      %dma_wait3A_62 = tpu.memref_squeeze %dma_wait3A_61 : memref<1x10240xf32, #tpu.memory_space<hbm>> -> memref<10240xf32, #tpu.memory_space<hbm>>
      tpu.wait_dma2 semaphore(%run_scoped3A : memref<!tpu.dma_semaphore, #tpu.memory_space<semaphore_mem>>) src(%arg14 : memref<10240xf32, #tpu.memory_space<vmem>>) dst(%dma_wait3A_62 : memref<10240xf32, #tpu.memory_space<hbm>>)
      tpu.yield
    }) : () -> ()
    %add3A_45 = arith.constant 2 : i32
    %add3A_46 = arith.addi %mul3A_2, %add3A_45 : i32
    "tpu.region"() ({
      %run_scoped3A = tpu.sem_alloc : memref<!tpu.dma_semaphore, #tpu.memory_space<semaphore_mem>>
      %dma_start3A = arith.constant 0 : i32
      %dma_start3A_53 = tpu.memref_slice %arg5[%add3A_46, %dma_start3A] : memref<128x10240xf32, #tpu.memory_space<hbm>> -> memref<1x10240xf32, #tpu.memory_space<hbm>>
      %dma_start3A_54 = tpu.memref_squeeze %dma_start3A_53 : memref<1x10240xf32, #tpu.memory_space<hbm>> -> memref<10240xf32, #tpu.memory_space<hbm>>
      %dma_start3A_55 = arith.constant 0 : i32
      %dma_start3A_56 = tpu.memref_slice %arg5[%add3A_46, %dma_start3A_55] : memref<128x10240xf32, #tpu.memory_space<hbm>> -> memref<1x10240xf32, #tpu.memory_space<hbm>>
      %dma_start3A_57 = tpu.memref_squeeze %dma_start3A_56 : memref<1x10240xf32, #tpu.memory_space<hbm>> -> memref<10240xf32, #tpu.memory_space<hbm>>
      tpu.enqueue_dma source(%arg11 : memref<10240xf32, #tpu.memory_space<vmem>>) target(%dma_start3A_57 : memref<10240xf32, #tpu.memory_space<hbm>>) target_semaphore(%run_scoped3A : memref<!tpu.dma_semaphore, #tpu.memory_space<semaphore_mem>>)
      %dma_wait3A = arith.constant 0 : i32
      %dma_wait3A_58 = tpu.memref_slice %arg5[%add3A_46, %dma_wait3A] : memref<128x10240xf32, #tpu.memory_space<hbm>> -> memref<1x10240xf32, #tpu.memory_space<hbm>>
      %dma_wait3A_59 = tpu.memref_squeeze %dma_wait3A_58 : memref<1x10240xf32, #tpu.memory_space<hbm>> -> memref<10240xf32, #tpu.memory_space<hbm>>
      %dma_wait3A_60 = arith.constant 0 : i32
      %dma_wait3A_61 = tpu.memref_slice %arg5[%add3A_46, %dma_wait3A_60] : memref<128x10240xf32, #tpu.memory_space<hbm>> -> memref<1x10240xf32, #tpu.memory_space<hbm>>
      %dma_wait3A_62 = tpu.memref_squeeze %dma_wait3A_61 : memref<1x10240xf32, #tpu.memory_space<hbm>> -> memref<10240xf32, #tpu.memory_space<hbm>>
      tpu.wait_dma2 semaphore(%run_scoped3A : memref<!tpu.dma_semaphore, #tpu.memory_space<semaphore_mem>>) src(%arg11 : memref<10240xf32, #tpu.memory_space<vmem>>) dst(%dma_wait3A_62 : memref<10240xf32, #tpu.memory_space<hbm>>)
      tpu.yield
    }) : () -> ()
    %add3A_47 = arith.constant 2 : i32
    %add3A_48 = arith.addi %mul3A_2, %add3A_47 : i32
    "tpu.region"() ({
      %run_scoped3A = tpu.sem_alloc : memref<!tpu.dma_semaphore, #tpu.memory_space<semaphore_mem>>
      %dma_start3A = arith.constant 0 : i32
      %dma_start3A_53 = tpu.memref_slice %arg6[%add3A_48, %dma_start3A] : memref<128x10240xf32, #tpu.memory_space<hbm>> -> memref<1x10240xf32, #tpu.memory_space<hbm>>
      %dma_start3A_54 = tpu.memref_squeeze %dma_start3A_53 : memref<1x10240xf32, #tpu.memory_space<hbm>> -> memref<10240xf32, #tpu.memory_space<hbm>>
      %dma_start3A_55 = arith.constant 0 : i32
      %dma_start3A_56 = tpu.memref_slice %arg6[%add3A_48, %dma_start3A_55] : memref<128x10240xf32, #tpu.memory_space<hbm>> -> memref<1x10240xf32, #tpu.memory_space<hbm>>
      %dma_start3A_57 = tpu.memref_squeeze %dma_start3A_56 : memref<1x10240xf32, #tpu.memory_space<hbm>> -> memref<10240xf32, #tpu.memory_space<hbm>>
      tpu.enqueue_dma source(%arg15 : memref<10240xf32, #tpu.memory_space<vmem>>) target(%dma_start3A_57 : memref<10240xf32, #tpu.memory_space<hbm>>) target_semaphore(%run_scoped3A : memref<!tpu.dma_semaphore, #tpu.memory_space<semaphore_mem>>)
      %dma_wait3A = arith.constant 0 : i32
      %dma_wait3A_58 = tpu.memref_slice %arg6[%add3A_48, %dma_wait3A] : memref<128x10240xf32, #tpu.memory_space<hbm>> -> memref<1x10240xf32, #tpu.memory_space<hbm>>
      %dma_wait3A_59 = tpu.memref_squeeze %dma_wait3A_58 : memref<1x10240xf32, #tpu.memory_space<hbm>> -> memref<10240xf32, #tpu.memory_space<hbm>>
      %dma_wait3A_60 = arith.constant 0 : i32
      %dma_wait3A_61 = tpu.memref_slice %arg6[%add3A_48, %dma_wait3A_60] : memref<128x10240xf32, #tpu.memory_space<hbm>> -> memref<1x10240xf32, #tpu.memory_space<hbm>>
      %dma_wait3A_62 = tpu.memref_squeeze %dma_wait3A_61 : memref<1x10240xf32, #tpu.memory_space<hbm>> -> memref<10240xf32, #tpu.memory_space<hbm>>
      tpu.wait_dma2 semaphore(%run_scoped3A : memref<!tpu.dma_semaphore, #tpu.memory_space<semaphore_mem>>) src(%arg15 : memref<10240xf32, #tpu.memory_space<vmem>>) dst(%dma_wait3A_62 : memref<10240xf32, #tpu.memory_space<hbm>>)
      tpu.yield
    }) : () -> ()
    %add3A_49 = arith.constant 3 : i32
    %add3A_50 = arith.addi %mul3A_2, %add3A_49 : i32
    "tpu.region"() ({
      %run_scoped3A = tpu.sem_alloc : memref<!tpu.dma_semaphore, #tpu.memory_space<semaphore_mem>>
      %dma_start3A = arith.constant 0 : i32
      %dma_start3A_53 = tpu.memref_slice %arg5[%add3A_50, %dma_start3A] : memref<128x10240xf32, #tpu.memory_space<hbm>> -> memref<1x10240xf32, #tpu.memory_space<hbm>>
      %dma_start3A_54 = tpu.memref_squeeze %dma_start3A_53 : memref<1x10240xf32, #tpu.memory_space<hbm>> -> memref<10240xf32, #tpu.memory_space<hbm>>
      %dma_start3A_55 = arith.constant 0 : i32
      %dma_start3A_56 = tpu.memref_slice %arg5[%add3A_50, %dma_start3A_55] : memref<128x10240xf32, #tpu.memory_space<hbm>> -> memref<1x10240xf32, #tpu.memory_space<hbm>>
      %dma_start3A_57 = tpu.memref_squeeze %dma_start3A_56 : memref<1x10240xf32, #tpu.memory_space<hbm>> -> memref<10240xf32, #tpu.memory_space<hbm>>
      tpu.enqueue_dma source(%arg12 : memref<10240xf32, #tpu.memory_space<vmem>>) target(%dma_start3A_57 : memref<10240xf32, #tpu.memory_space<hbm>>) target_semaphore(%run_scoped3A : memref<!tpu.dma_semaphore, #tpu.memory_space<semaphore_mem>>)
      %dma_wait3A = arith.constant 0 : i32
      %dma_wait3A_58 = tpu.memref_slice %arg5[%add3A_50, %dma_wait3A] : memref<128x10240xf32, #tpu.memory_space<hbm>> -> memref<1x10240xf32, #tpu.memory_space<hbm>>
      %dma_wait3A_59 = tpu.memref_squeeze %dma_wait3A_58 : memref<1x10240xf32, #tpu.memory_space<hbm>> -> memref<10240xf32, #tpu.memory_space<hbm>>
      %dma_wait3A_60 = arith.constant 0 : i32
      %dma_wait3A_61 = tpu.memref_slice %arg5[%add3A_50, %dma_wait3A_60] : memref<128x10240xf32, #tpu.memory_space<hbm>> -> memref<1x10240xf32, #tpu.memory_space<hbm>>
      %dma_wait3A_62 = tpu.memref_squeeze %dma_wait3A_61 : memref<1x10240xf32, #tpu.memory_space<hbm>> -> memref<10240xf32, #tpu.memory_space<hbm>>
      tpu.wait_dma2 semaphore(%run_scoped3A : memref<!tpu.dma_semaphore, #tpu.memory_space<semaphore_mem>>) src(%arg12 : memref<10240xf32, #tpu.memory_space<vmem>>) dst(%dma_wait3A_62 : memref<10240xf32, #tpu.memory_space<hbm>>)
      tpu.yield
    }) : () -> ()
    %add3A_51 = arith.constant 3 : i32
    %add3A_52 = arith.addi %mul3A_2, %add3A_51 : i32
    "tpu.region"() ({
      %run_scoped3A = tpu.sem_alloc : memref<!tpu.dma_semaphore, #tpu.memory_space<semaphore_mem>>
      %dma_start3A = arith.constant 0 : i32
      %dma_start3A_53 = tpu.memref_slice %arg6[%add3A_52, %dma_start3A] : memref<128x10240xf32, #tpu.memory_space<hbm>> -> memref<1x10240xf32, #tpu.memory_space<hbm>>
      %dma_start3A_54 = tpu.memref_squeeze %dma_start3A_53 : memref<1x10240xf32, #tpu.memory_space<hbm>> -> memref<10240xf32, #tpu.memory_space<hbm>>
      %dma_start3A_55 = arith.constant 0 : i32
      %dma_start3A_56 = tpu.memref_slice %arg6[%add3A_52, %dma_start3A_55] : memref<128x10240xf32, #tpu.memory_space<hbm>> -> memref<1x10240xf32, #tpu.memory_space<hbm>>
      %dma_start3A_57 = tpu.memref_squeeze %dma_start3A_56 : memref<1x10240xf32, #tpu.memory_space<hbm>> -> memref<10240xf32, #tpu.memory_space<hbm>>
      tpu.enqueue_dma source(%arg16 : memref<10240xf32, #tpu.memory_space<vmem>>) target(%dma_start3A_57 : memref<10240xf32, #tpu.memory_space<hbm>>) target_semaphore(%run_scoped3A : memref<!tpu.dma_semaphore, #tpu.memory_space<semaphore_mem>>)
      %dma_wait3A = arith.constant 0 : i32
      %dma_wait3A_58 = tpu.memref_slice %arg6[%add3A_52, %dma_wait3A] : memref<128x10240xf32, #tpu.memory_space<hbm>> -> memref<1x10240xf32, #tpu.memory_space<hbm>>
      %dma_wait3A_59 = tpu.memref_squeeze %dma_wait3A_58 : memref<1x10240xf32, #tpu.memory_space<hbm>> -> memref<10240xf32, #tpu.memory_space<hbm>>
      %dma_wait3A_60 = arith.constant 0 : i32
      %dma_wait3A_61 = tpu.memref_slice %arg6[%add3A_52, %dma_wait3A_60] : memref<128x10240xf32, #tpu.memory_space<hbm>> -> memref<1x10240xf32, #tpu.memory_space<hbm>>
      %dma_wait3A_62 = tpu.memref_squeeze %dma_wait3A_61 : memref<1x10240xf32, #tpu.memory_space<hbm>> -> memref<10240xf32, #tpu.memory_space<hbm>>
      tpu.wait_dma2 semaphore(%run_scoped3A : memref<!tpu.dma_semaphore, #tpu.memory_space<semaphore_mem>>) src(%arg16 : memref<10240xf32, #tpu.memory_space<vmem>>) dst(%dma_wait3A_62 : memref<10240xf32, #tpu.memory_space<hbm>>)
      tpu.yield
    }) : () -> ()
    "tpu.region"() ({
      %run_scoped3A = tpu.sem_alloc : memref<!tpu.dma_semaphore, #tpu.memory_space<semaphore_mem>>
      %dma_start3A = tpu.memref_slice %arg7[%mul3A_4] : memref<10240xf32, #tpu.memory_space<hbm>> -> memref<320xf32, #tpu.memory_space<hbm>>
      %dma_start3A_53 = tpu.memref_slice %arg7[%mul3A_4] : memref<10240xf32, #tpu.memory_space<hbm>> -> memref<320xf32, #tpu.memory_space<hbm>>
      tpu.enqueue_dma source(%arg17 : memref<320xf32, #tpu.memory_space<vmem>>) target(%dma_start3A_53 : memref<320xf32, #tpu.memory_space<hbm>>) target_semaphore(%run_scoped3A : memref<!tpu.dma_semaphore, #tpu.memory_space<semaphore_mem>>)
      %dma_wait3A = tpu.memref_slice %arg7[%mul3A_4] : memref<10240xf32, #tpu.memory_space<hbm>> -> memref<320xf32, #tpu.memory_space<hbm>>
      %dma_wait3A_54 = tpu.memref_slice %arg7[%mul3A_4] : memref<10240xf32, #tpu.memory_space<hbm>> -> memref<320xf32, #tpu.memory_space<hbm>>
      tpu.wait_dma2 semaphore(%run_scoped3A : memref<!tpu.dma_semaphore, #tpu.memory_space<semaphore_mem>>) src(%arg17 : memref<320xf32, #tpu.memory_space<vmem>>) dst(%dma_wait3A_54 : memref<320xf32, #tpu.memory_space<hbm>>)
      tpu.yield
    }) : () -> ()
    return
  }
}

</mosaic_0001>

<sc_bundles>
// kernel: _sc_segment.3.cloned.1.call-start
scs
__scs_entry_jumppad:
0x0: {  	(pc) =	sbr.rel $0x88, $3  }
0x1: {  	(tag) =	ssettag $0x0;
	lr =	simm.s32 $0x1  }
0x2: {  	[smem:$0x3F9E] =	sst lr;
	_ =	strace $0xD0000000  }
0x3: {  	_ = 	snop  }
0x4: {  	_ = 	snop  }
0x5: {  	_ = 	snop  }
0x6: {  	_ = 	snop  }
0x7: {  	_ = 	snop  }
__scs_overlays_trampoline_lowered:
0x8: {  	[smem:$0x3FAD] =	sst s0  }
0x9: {  	[smem:$0x3FAE] =	sst s1  }
0xa: {  	[smem:$0x3FAF] =	sst s2  }
0xb: {  	[smem:$0x3FB0] =	sst s3  }
0xc: {  	[smem:$0x3FB1] =	sst s4  }
0xd: {  	[smem:$0x3FB2] =	sst s5  }
0xe: {  	[smem:$0x3FB3] =	sst s6  }
0xf: {  	[smem:$0x3FB4] =	sst s7  }
0x10: {  	[smem:$0x3FB5] =	sst s8  }
0x11: {  	[smem:$0x3FB6] =	sst s9;
	s0 =	simm.s32 @!p0 $0x0  }
0x12: {  	s1 =	sld [smem:$0x3F9C];
	s0 =	simm.s32 @p0 $0x1  }
0x13: {  	[smem:$0x3FB7] =	sst s0;
	s0 =	simm.s32 @!p1 $0x0  }
0x14: {  	s2 =	sld [smem:$0x3F9B];
	s0 =	simm.s32 @p1 $0x1  }
0x15: {  	[smem:$0x3FB8] =	sst s0;
	s0 =	simm.s32 @!p2 $0x0  }
0x16: {  	s3 =	sld [smem:$0x3FDB];
	s0 =	simm.s32 @p2 $0x1  }
0x17: {  	s4 =	simm.s32 $0x1BF5;
	[smem:$0x3FBA] =	sst s0  }
0x18: {  	s0 =	sld [smem:$0x3F9D];
	_ =	swait.ge [sflag:s4], $0x0  }
0x19: {  	s7 =	sld [smem:$0x3F9E]  }
0x1a: {  	s8 =	sadd.s32 $0xFFFFE003, lr  }
0x1b: {  	s9 =	sadd.s32 $0xFFFFFEF7, lr;
	s5 =	simm.s32 $0xFFFFFFFF;
	p2 =	slt.u32 s8, $0xFFFFF086  }
0x1c: {  	p1 =	slt.u32 s9, $0xF7A;
	s5 =	simm.s32 @!p2 $0x0  }
0x1d: {  	s5 =	simm.s32 @p1 $0x1;
	p0 =	seq.s32 s7, s2  }
0x1e: {  	s7 =	smul.u32 @!p0 $0xF7A, s2;
	p2 =	seq.s32 @!p0 s5, $0x0  }
0x1f: {  	s9 =	smul.u32 $0xF7A, s1;
	s8 =	simm.s32 @!p0 $0x1BF5;
	p2 =	por !p2, p0  }
0x20: {  	[sflag:s8] =	ssyncset.s32 @!p0 $0xFFFFF086;
	s6 =	sadd.s32 @!p0 s3, s7;
	s7 =	simm.s32 @!p0 $0x108  }
0x21: {  	s3 =	sadd.s32 s3, s9;
	s6 =	sadd.s32 @!p0 $0x88, s6;
	s7 =	simm.s32 @p2 $0x1082  }
0x22: {  	[simem:s7], [sflag:s8] =	dma.local @!p0 [hbm:s6], $0xF7A  }
0x23: {  	s9 =	sor.u32 $0xD0000000, s2;
	s6 =	simm.s32 $0x108;
	_ =	swait.ge @!p0 [sflag:s8], $0x0  }
0x24: {  	s3 =	sadd.s32 $0x88, s3;
	s6 =	simm.s32 @!p1 $0x1082;
	[sflag:s4] =	ssyncset.s32 $0xFFFFF086  }
0x25: {  	[simem:s6], [sflag:s4] =	dma.local [hbm:s3], $0xF7A  }
0x26: {  	[smem:$0x3F9E] =	sst s1;
	(tag) =	ssettag s2;
	_ =	strace s9  }
0x27: {  	s1 =	sld [smem:$0x3FAE]  }
0x28: {  	s2 =	sld [smem:$0x3FAF]  }
0x29: {  	s4 =	sld [smem:$0x3FB1]  }
0x2a: {  	p0 =	seq.s32 s5, $0x0;
	s5 =	sld [smem:$0x3FB2]  }
0x2b: {  	s6 =	sld [smem:$0x3FB3]  }
0x2c: {  	s7 =	sld [smem:$0x3FB4]  }
0x2d: {  	s3 =	simm.s32 $0x108;
	s8 =	sld [smem:$0x3FB5]  }
0x2e: {  	s3 =	simm.s32 @!p0 $0x1082;
	s9 =	sld [smem:$0x3FB6]  }
0x2f: {  	lr =	sadd.s32 s0, s3;
	s0 =	sld [smem:$0x3FAD]  }
0x30: {  	s3 =	sld [smem:$0x3FB0]  }
0x31: {  	[smem:$0x3FB9] =	sst s10  }
0x32: {  	s10 =	sld [smem:$0x3FB7];
	_ =	sdelay $0x3  }
0x33: {  	p0 =	seq.s32 s10, $0x1;
	s10 =	sld [smem:$0x3FB9];
	_ =	sdelay $0x3  }
0x34: {  	[smem:$0x3FB9] =	sst s10  }
0x35: {  	s10 =	sld [smem:$0x3FB8];
	_ =	sdelay $0x3  }
0x36: {  	p1 =	seq.s32 s10, $0x1;
	s10 =	sld [smem:$0x3FB9];
	_ =	sdelay $0x3  }
0x37: {  	[smem:$0x3FB9] =	sst s10  }
0x38: {  	s10 =	sld [smem:$0x3FBA]  }
0x39: {  	_ = 	snop;
	(pc) =	sbr.ind lr, $3  }
0x3a: {  	_ = 	snop  }
0x3b: {  	_ = 	snop  }
0x3c: {  	p2 =	seq.s32 s10, $0x1;
	s10 =	sld [smem:$0x3FB9]  }
0x3d: {  	_ =	shalt  }
0x3e: {  	_ =	shalt  }
0x3f: {  	_ =	shalt  }
0x40: {  	_ =	shalt  }
0x41: {  	_ =	shalt  }
0x42: {  	_ =	shalt  }
0x43: {  	_ =	shalt  }
0x44: {  	_ =	shalt  }
0x45: {  	_ =	shalt  }
0x46: {  	_ =	shalt  }
0x47: {  	_ =	shalt  }
0x48: {  	_ =	shalt  }
0x49: {  	_ =	shalt  }
0x4a: {  	_ =	shalt  }
0x4b: {  	_ =	shalt  }
0x4c: {  	_ =	shalt  }
0x4d: {  	_ =	shalt  }
0x4e: {  	_ =	shalt  }
0x4f: {  	_ =	shalt  }
0x50: {  	_ =	shalt  }
0x51: {  	_ =	shalt  }
0x52: {  	_ =	shalt  }
0x53: {  	_ =	shalt  }
0x54: {  	_ =	shalt  }
0x55: {  	_ =	shalt  }
0x56: {  	_ =	shalt  }
0x57: {  	_ =	shalt  }
0x58: {  	_ =	shalt  }
0x59: {  	_ =	shalt  }
0x5a: {  	_ =	shalt  }
0x5b: {  	_ =	shalt  }
0x5c: {  	_ =	shalt  }
0x5d: {  	_ =	shalt  }
0x5e: {  	_ =	shalt  }
0x5f: {  	_ =	shalt  }
0x60: {  	_ =	shalt  }
0x61: {  	_ =	shalt  }
0x62: {  	_ =	shalt  }
0x63: {  	_ =	shalt  }
0x64: {  	_ =	shalt  }
0x65: {  	_ =	shalt  }
0x66: {  	_ =	shalt  }
0x67: {  	_ =	shalt  }
0x68: {  	_ =	shalt  }
0x69: {  	_ =	shalt  }
0x6a: {  	_ =	shalt  }
0x6b: {  	_ =	shalt  }
0x6c: {  	_ =	shalt  }
0x6d: {  	_ =	shalt  }
0x6e: {  	_ =	shalt  }
0x6f: {  	_ =	shalt  }
0x70: {  	_ =	shalt  }
0x71: {  	_ =	shalt  }
0x72: {  	_ =	shalt  }
0x73: {  	_ =	shalt  }
0x74: {  	_ =	shalt  }
0x75: {  	_ =	shalt  }
0x76: {  	_ =	shalt  }
0x77: {  	_ =	shalt  }
0x78: {  	_ =	shalt  }
0x79: {  	_ =	shalt  }
0x7a: {  	_ =	shalt  }
0x7b: {  	_ =	shalt  }
0x7c: {  	_ =	shalt  }
0x7d: {  	_ =	shalt  }
0x7e: {  	_ =	shalt  }
0x7f: {  	_ =	shalt  }
0x80: {  	_ =	shalt  }
0x81: {  	_ =	shalt  }
0x82: {  	_ =	shalt  }
0x83: {  	_ =	shalt  }
0x84: {  	_ =	shalt  }
0x85: {  	_ =	shalt  }
0x86: {  	_ =	shalt  }
0x87: {  	_ =	shalt  }
.Lfunc_end0:
.L_simem_size_0:
called_computation_lowered:
.L_overlay_start_0:
0x88: {  	s2 =	sld [smem:$0x3FD9]  }
0x89: {  	s3 =	sld [smem:$0x3FFE];
	_ =	sdelay $0x1  }
0x8a: {  	s1 =	srdreg.scid  }
0x8b: {  	s0 =	sand.u32 $0x1, s1  }
0x8c: {  	s15 =	sshll.u32 s0, $0xA;
	s2 =	sadd.s32 s3, s2  }
0x8d: {  	s2 =	sadd.s32 s2, s15  }
0x8e: {  	[smem:$0x3FC5] =	sst s2  }
0x8f: {  	_ = 	snop  }
0x90: {  	s2 =	sld [smem:$0x3FD0]  }
0x91: {  	s16 =	sld [smem:$0x3FC9]  }
0x92: {  	s4 =	sld [smem:$0x3FC8]  }
0x93: {  	s6 =	simm.s32 $0xA;
	s7 =	simm.s32 $0x10;
	s5 =	sld [smem:$0x3FC7]  }
0x94: {  	[smem:s7], [sflag:s6] =	dma.local [hbm:s2], $0x1  }
0x95: {  	_ =	swait.eq [sflag:s6], $0x1  }
0x96: {  	s17 =	sld [smem:$0x10];
	[sflag:s6] =	ssyncset.done $0x0  }
0x97: {  	s18 =	sld [smem:$0x11];
	[sflag:s6] =	ssyncadd.s32 $0xFFFFFFFF  }
0x98: {  	s19 =	sld [smem:$0x12];
	(tm) =	ssettm $0x1  }
0x99: {  	s8 =	sld [smem:$0x3FFB];
	_ =	sdelay $0x3  }
0x9a: {  	_ =	strace s8  }
0x9b: {  	s8 =	sld [smem:$0x3FFC];
	_ =	sdelay $0x3  }
0x9c: {  	_ =	strace s8  }
0x9d: {  	s8 =	sld [smem:$0x3FFD];
	_ =	sdelay $0x3  }
0x9e: {  	_ =	strace s8  }
0x9f: {  	_ =	strace $0x8FFFFFFF  }
0xa0: {  	s20 =	sld [smem:$0x3FDB];
	_ =	sdelay $0x1  }
0xa1: {  	s9 =	simm.s32 $_scs_section_size  }
0xa2: {  	s10 =	simm.s32 $_size__tile_overlayer_lowered;
	s11 =	simm.s32 $_tile_overlayer_lowered  }
0xa3: {  	s23 =	simm.s32 $0x1BFF;
	s22 =	sshll.u32 s11, $0x1;
	s8 =	sadd.s32 s9, s20  }
0xa4: {  	s12 =	simm.s32 $0x0;
	s21 =	sshll.u32 s10, $0x1;
	s10 =	sadd.s32 s22, s8  }
0xa5: {  	[timem:s12], [sflag:s23] =	dma.local [hbm:s10], s21  }
0xa6: {  	_ =	swait.ge [sflag:s23], s21  }
0xa7: {  	s9 =	ssub.s32 $0x0, s21;
	[sflag:s23] =	ssyncset.done $0x0  }
0xa8: {  	[sflag:s23] =	ssyncadd.s32 s9;
	_ =	sdelay $0x1  }
0xa9: {  	s24 =	simm.s32 $0x1B8B  }
0xaa: {  	_ =	swait.ge [sflag:s24], $0x1  }
0xab: {  	[sflag:s24] =	ssyncset.done $0x0  }
0xac: {  	s25 =	simm.s32 $0x1B8E;
	[sflag:s24] =	ssyncadd.s32 $0xFFFFFFFF  }
0xad: {  	s26 =	simm.s32 $execute0_lowered;
	[smem:$0x3FD2] =	sst s25  }
0xae: {  	s9 =	sshll.u32 s26, $0x1;
	_ =	strace $0x80000046;
	[dreg:$0x1] =	wrdreg $0xFFFFFFFF  }
0xaf: {  	s28 =	simm.s32 $_size_execute0_lowered;
	s8 =	sadd.s32 s8, s9;
	[dreg:$0x0] =	wrdreg $0x0  }
0xb0: {  	s9 =	sshll.u32 s28, $0x1;
	[dreg:$0x2] =	wrdreg s8  }
0xb1: {  	[dreg:$0x3] =	wrdreg s9  }
0xb2: {  	[dreg:$0x4] =	wrdreg $0xC0  }
0xb3: {  	_ =	task [dreg:s12], $0x5FFFF  }
0xb4: {  	[dreg:$0x1] =	wrdreg $0xFFFFFFFF  }
0xb5: {  	[dreg:$0x0] =	wrdreg $0x60  }
0xb6: {  	[dreg:$0x2] =	wrdreg s16  }
0xb7: {  	[dreg:$0x3] =	wrdreg s4  }
0xb8: {  	[dreg:$0x4] =	wrdreg s5  }
0xb9: {  	[dreg:$0x5] =	wrdreg s17  }
0xba: {  	[dreg:$0x6] =	wrdreg s18  }
0xbb: {  	[dreg:$0x7] =	wrdreg s19  }
0xbc: {  	[dreg:$0x8] =	wrdreg $0x9  }
0xbd: {  	_ =	task.clear_ibuf [dreg:s12], $0x9FFFF;
	_ =	strace $0x90000046  }
0xbe: {  	s29 =	simm.s32 $0x9;
	_ =	strace $0x80000048  }
0xbf: {  	_ =	swait.ge [sflag:s29], $0x1  }
0xc0: {  	[sflag:s29] =	ssyncadd.s32 $0xFFFFFFFF  }
0xc1: {  	_ =	strace $0x90000048  }
0xc2: {  	_ =	sfence  }
0xc3: {  	s30 =	sld [smem:$0x0];
	_ =	sdelay $0x2  }
0xc4: {  	s31 =	sshll.u32 s1, $0xD;
	s1 =	sshrl.u32 s1, $0x2  }
0xc5: {  	s3 =	sand.u32 $0x4000, s31;
	s1 =	sadd.s32 s1, s30  }
0xc6: {  	s0 =	sor.u32 s3, s0;
	s1 =	sshll.u32 s1, $0x11  }
0xc7: {  	s0 =	sor.u32 s1, s0  }
0xc8: {  	s0 =	sadd.s32 $0x8F2B, s0  }
0xc9: {  	[sflag:s0] =	ssyncadd.remote.s32 $0x1  }
0xca: {  	_ =	sfence.sel $0xFFFF  }
0xcb: {  	[dreg:$0x0] =	wrdreg $0xFFFFFFFF;
	(pc) =	sbr.abs _section_cstart, $3  }
0xcc: {  	[dreg:$0x1] =	wrdreg $0xFFFFFFFF  }
0xcd: {  	_ =	task.clear_ibuf [dreg:s12], $0x2FFFF;
	_ =	strace $0x9FFFFFFF  }
0xce: {  	(tm) =	ssettm $0x7FFFFFFF  }
0xcf: {  	_ =	shalt  }
tec
execute0_lowered:
.L_overlay_start_1:
0x0: {  	(tag) =	ssettag $0x1  }
0x1: {  	s1 =	rddreg [dreg:$0x0]  }
0x2: {  	s2 =	rddreg [dreg:$0x1]  }
0x3: {  	s0 =	rddreg [dreg:$0x2]  }
0x4: {  	s3 =	rddreg [dreg:$0x3]  }
0x5: {  	s5 =	rddreg [dreg:$0x4]  }
0x6: {  	s6 =	rddreg [dreg:$0x5]  }
0x7: {  	s4 =	simm.s32 $0x0;
	s7 =	srdreg.scid;
	s9 =	stileid.u32  }
0x8: {  	s17 =	simm.s32 $0x400;
	s18 =	simm.s32 $0x1;
	s19 =	simm.s32 $0x1E180  }
0x9: {  	s20 =	simm.s32 $0x1EE00;
	s21 =	simm.s32 $0x1E000;
	s28 =	simm.s32 $0x19000  }
0xa: {  	s29 =	simm.s32 $0x11800;
	s30 =	simm.s32 $0x1B800;
	s31 =	simm.s32 $0x80  }
0xb: {  	s7 =	sand.u32 $0x1, s7;
	s8 =	sshll.u32 s9, $0x1;
	s9 =	smul.u32 $0x14000, s9  }
0xc: {  	[smem:$0x7FF] =	sst s4;
	s8 =	sor.u32 s7, s8;
	s10 =	sshll.u32 s7, $0x9  }
0xd: {  	s7 =	ssub.s32 $0x2, s7;
	_ =	strace $0x80000047;
	s22 =	sor.u32 s10, s9  }
0xe: {  	s16 =	smul.u32 $0x140, s8;
	s23 =	sshrl.u32 s7, $0x1;
	s12 =	sshrl.u32 s22, $0x3  }
0xf: {  	s7 =	ssub.s32 s7, s23;
	s22 =	simm.s32 $0xA000;
	s23 =	simm.s32 $0x14000  }
0x10: {  	s0 =	sadd.s32 s0, s12;
	s8 =	sadd.s32 s3, s12;
	s24 =	sadd.s32 s5, s12  }
0x11: {  	s25 =	sor.u32 $0x10, s12;
	s11 =	sor.u32 $0x20, s12;
	s13 =	sor.u32 $0x30, s12  }
0x12: {  	s26 =	sshrl.u32 s16, $0x3;
	s15 =	smax.u32 s7, $0x1;
	[dreg:$0x7] =	wrdreg s0  }
.Ltmp0:
0x13: {  	s0 =	sadd.s32 $0x140, s16;
	[dreg:$0x8] =	wrdreg s8;
	(pc) =	sbr.rel .LBB2_1-.Ltmp0, $4  }
0x14: {  	[dreg:$0x9] =	wrdreg s24;
	s8 =	sadd.s32 s3, s25;
	s9 =	sadd.s32 s5, s25  }
0x15: {  	v2 =	vimm.f32 $0.0e+00;
	s10 =	sadd.s32 s3, s11;
	s11 =	sadd.s32 s5, s11;
	s12 =	sadd.s32 s3, s13  }
0x16: {  	v3 =	vimm.f32 $-3.000000010e+38;
	vm0 =	vmxor vm0, vm0;
	v4 =	vimm.f32 $1.000000000e+00;
	s13 =	sadd.s32 s5, s13;
	s14 =	sadd.s32 s6, s26;
	s24 =	simm.s32 $0xC800  }
0x17: {  	v5 =	vlaneseq.u32;
	v0 =	vmov s16;
	s25 =	simm.s32 $0x16800;
	s26 =	simm.s32 $0xF000;
	v1 =	vmov s0;
	s0 =	simm.s32 $0x0  }
.LBB2_17:
0x18: {  	s3 =	rddreg [dreg:$0x8]  }
0x19: {  	[hbm4b:s3+s31] =	stream.strided.scatter [tilespmem:s22], [sflag:$0x1], $0x2800, s17, s31, $0x38;
	[tilespmem:$0x1FA80] =	vst v63  }
0x1a: {  	_ =	swait.ge [sflag:s18], $0x2800  }
0x1b: {  	[sflag:s18] =	ssyncset.done $0x0  }
0x1c: {  	s16 =	rddreg [dreg:$0x9];
	[sflag:s18] =	ssyncadd.s32 $0xFFFFD800  }
0x1d: {  	[hbm4b:s16+s31] =	stream.strided.scatter [tilespmem:s23], [sflag:$0x1], $0x2800, s17, s31, $0x38;
	[tilespmem:$0x1FA80] =	vst v63  }
0x1e: {  	_ =	swait.ge [sflag:s18], $0x2800  }
0x1f: {  	[sflag:s18] =	ssyncset.done $0x0  }
0x20: {  	[sflag:s18] =	ssyncadd.s32 $0xFFFFD800  }
0x21: {  	[hbm4b:s8+s31] =	stream.strided.scatter [tilespmem:s24], [sflag:$0x1], $0x2800, s17, s31, $0x38;
	[tilespmem:$0x1FA80] =	vst v63  }
0x22: {  	_ =	swait.ge [sflag:s18], $0x2800  }
0x23: {  	[sflag:s18] =	ssyncset.done $0x0  }
0x24: {  	[sflag:s18] =	ssyncadd.s32 $0xFFFFD800  }
0x25: {  	[hbm4b:s9+s31] =	stream.strided.scatter [tilespmem:s25], [sflag:$0x1], $0x2800, s17, s31, $0x38;
	[tilespmem:$0x1FA80] =	vst v63  }
0x26: {  	_ =	swait.ge [sflag:s18], $0x2800  }
0x27: {  	[sflag:s18] =	ssyncset.done $0x0  }
0x28: {  	[sflag:s18] =	ssyncadd.s32 $0xFFFFD800  }
0x29: {  	[hbm4b:s10+s31] =	stream.strided.scatter [tilespmem:s26], [sflag:$0x1], $0x2800, s17, s31, $0x38;
	[tilespmem:$0x1FA80] =	vst v63  }
0x2a: {  	_ =	swait.ge [sflag:s18], $0x2800  }
0x2b: {  	[sflag:s18] =	ssyncset.done $0x0  }
0x2c: {  	[sflag:s18] =	ssyncadd.s32 $0xFFFFD800  }
0x2d: {  	[hbm4b:s11+s31] =	stream.strided.scatter [tilespmem:s28], [sflag:$0x1], $0x2800, s17, s31, $0x38;
	[tilespmem:$0x1FA80] =	vst v63  }
0x2e: {  	_ =	swait.ge [sflag:s18], $0x2800  }
0x2f: {  	[sflag:s18] =	ssyncset.done $0x0  }
0x30: {  	[sflag:s18] =	ssyncadd.s32 $0xFFFFD800  }
0x31: {  	[hbm4b:s12+s31] =	stream.strided.scatter [tilespmem:s29], [sflag:$0x1], $0x2800, s17, s31, $0x38;
	[tilespmem:$0x1FA80] =	vst v63  }
0x32: {  	_ =	swait.ge [sflag:s18], $0x2800  }
0x33: {  	[sflag:s18] =	ssyncset.done $0x0  }
0x34: {  	[sflag:s18] =	ssyncadd.s32 $0xFFFFD800  }
0x35: {  	[hbm4b:s13+s31] =	stream.strided.scatter [tilespmem:s30], [sflag:$0x1], $0x2800, s17, s31, $0x38;
	[tilespmem:$0x1FA80] =	vst v63  }
0x36: {  	s0 =	sadd.s32 $0x1, s0;
	_ =	swait.ge [sflag:s18], $0x2800  }
0x37: {  	p0 =	sne.s32 s0, s15;
	[sflag:s18] =	ssyncset.done $0x0  }
.Ltmp1:
0x38: {  	[sflag:s18] =	ssyncadd.s32 $0xFFFFD800;
	(pc) =	sbr.rel @!p0 .LBB2_18-.Ltmp1, $4  }
0x39: {  	[hbm4b:s14+s4] =	stream.linear.scatter [tilespmem:s21], [sflag:$0x1], $0x140, $0x38;
	[tilespmem:$0x1FA80] =	vst v63  }
0x3a: {  	_ =	swait.ge [sflag:s18], $0x140  }
0x3b: {  	[sflag:s18] =	ssyncset.done $0x0  }
0x3c: {  	[sflag:s18] =	ssyncadd.s32 $0xFFFFFEC0  }
.LBB2_1:
0x3d: {  	s3 =	rddreg [dreg:$0x7];
	s5 =	simm.s32 $0x200  }
0x3e: {  	[tilespmem:s4], [sflag:$0x1] =	stream.strided.gather [hbm4b:s3+s5], $0xA000, s17, s5, $0x38;
	[tilespmem:$0x1FA80] =	vst v63  }
0x3f: {  	_ =	swait.ge [sflag:s18], $0xA000  }
0x40: {  	[sflag:s18] =	ssyncset.done $0x0  }
0x41: {  	s3 =	simm.s32 $0x0;
	s5 =	simm.s32 $0x40;
	[sflag:s18] =	ssyncadd.s32 $0xFFFF6000  }
.LBB2_2:
0x42: {  	p0 =	sne.s32 s5, $0x9FC0;
	[tilespmem:s3+$0x1B800] =	vst v3  }
0x43: {  	[tilespmem:s3+$0xA000] =	vst v2  }
0x44: {  	[tilespmem:s3+$0x14000] =	vst v3  }
.Ltmp2:
0x45: {  	[tilespmem:s3+$0xC800] =	vst v2;
	(pc) =	sbr.rel @p0 .LBB2_2-.Ltmp2, $4  }
0x46: {  	[tilespmem:s3+$0x16800] =	vst v3  }
0x47: {  	[tilespmem:s3+$0xF000] =	vst v2  }
0x48: {  	[tilespmem:s3+$0x19000] =	vst v3  }
0x49: {  	[tilespmem:s3+$0x11800] =	vst v2;
	s3 =	sshra.s32 s5, $0x2;
	s5 =	sadd.s32 $0x40, s5  }
0x4a: {  	[tilespmem:s3+$0x1B800] =	vst v3  }
0x4b: {  	[tilespmem:s3+$0xA000] =	vst v2  }
0x4c: {  	[tilespmem:s3+$0x14000] =	vst v3  }
0x4d: {  	[tilespmem:s3+$0xC800] =	vst v2  }
0x4e: {  	[tilespmem:s3+$0x16800] =	vst v3  }
0x4f: {  	[tilespmem:s3+$0xF000] =	vst v2  }
0x50: {  	[tilespmem:s3+$0x19000] =	vst v3  }
0x51: {  	[tilespmem:s3+$0x11800] =	vst v2  }
0x52: {  	[tilespmem:$0x1E000] =	vst v2  }
0x53: {  	[tilespmem:$0x1E010] =	vst v2  }
0x54: {  	[tilespmem:$0x1E020] =	vst v2  }
0x55: {  	[tilespmem:$0x1E030] =	vst v2  }
0x56: {  	[tilespmem:$0x1E040] =	vst v2  }
0x57: {  	[tilespmem:$0x1E050] =	vst v2  }
0x58: {  	[tilespmem:$0x1E060] =	vst v2  }
0x59: {  	[tilespmem:$0x1E070] =	vst v2  }
0x5a: {  	[tilespmem:$0x1E080] =	vst v2  }
0x5b: {  	[tilespmem:$0x1E090] =	vst v2  }
0x5c: {  	[tilespmem:$0x1E0A0] =	vst v2  }
0x5d: {  	[tilespmem:$0x1E0B0] =	vst v2  }
0x5e: {  	[tilespmem:$0x1E0C0] =	vst v2  }
0x5f: {  	[tilespmem:$0x1E0D0] =	vst v2  }
0x60: {  	[tilespmem:$0x1E0E0] =	vst v2  }
.Ltmp3:
0x61: {  	[tilespmem:$0x1E0F0] =	vst v2;
	(pc) =	sbr.rel .LBB2_4-.Ltmp3, $4  }
0x62: {  	[tilespmem:$0x1E100] =	vst v2  }
0x63: {  	[tilespmem:$0x1E110] =	vst v2  }
0x64: {  	[tilespmem:$0x1E120] =	vst v2  }
0x65: {  	s3 =	simm.s32 $0x0;
	s16 =	simm.s32 $0x0;
	[tilespmem:$0x1E130] =	vst v2  }
.LBB2_16:
0x66: {  	s16 =	sadd.s32 $0x1, s16  }
0x67: {  	p0 =	sne.s32 s16, $0x64  }
.Ltmp4:
0x68: {  	_ = 	snop;
	(pc) =	sbr.rel @!p0 .LBB2_17-.Ltmp4, $1  }
0x69: {  	_ =	sdelay $0x3  }
.LBB2_4:
0x6a: {  	s5 =	smul.u32 $0x190, s16;
	_ =	sdelay $0x1  }
0x6b: {  	s6 =	sadd.s32 s1, s5  }
0x6c: {  	[tilespmem:s19], [sflag:$0x1] =	stream.linear.gather [hbm4b:s6+s3], $0xC80, $0x38;
	[tilespmem:$0x1FA80] =	vst v63  }
0x6d: {  	_ =	swait.ge [sflag:s18], $0xC80  }
0x6e: {  	[sflag:s18] =	ssyncset.done $0x0  }
0x6f: {  	s5 =	sadd.s32 s2, s5;
	[sflag:s18] =	ssyncadd.s32 $0xFFFFF380  }
0x70: {  	[tilespmem:s20], [sflag:$0x1] =	stream.linear.gather [hbm4b:s5+s3], $0xC80, $0x38;
	[tilespmem:$0x1FA80] =	vst v63  }
0x71: {  	_ =	swait.ge [sflag:s18], $0xC80  }
0x72: {  	[sflag:s18] =	ssyncset.done $0x0  }
0x73: {  	vm1 =	vmmov vm0;
	s5 =	simm.s32 $0x0;
	[sflag:s18] =	ssyncadd.s32 $0xFFFFF380  }
.LBB2_5:
0x74: {  	s6 =	sshra.s32 s5, $0x2  }
0x75: {  	v7 =	vld [tilespmem:s6+$0x1EE00];
	_ =	sdelay $0x1  }
0x76: {  	v6 =	vld [tilespmem:s6+$0x1E180];
	_ =	sdelay $0x2  }
0x77: {  	(xrf1) =	vunique.msk.u32 $0xffff, v7  }
0x78: {  	vm2 =	vge.s32 v7, v0;
	vm3 =	vlt.s32 v7, v1  }
0x79: {  	v8 =	vshll.u32 v6, $0x2;
	vm2 =	vmand vm2, vm3  }
0x7a: {  	v9 =	vsub.s32 v7, v0;
	v6 =	vand.u32 $0x7F, v6;
	v8 =	vand.u32 $0xFFFFFE00, v8  }
0x7b: {  	v8 =	vor.u32 v6, v8;
	_ =	sdelay $0x3  }
0x7c: {  	[tilespmem:v9+s21+$0x0] =	vst.idx.add.f32.msk vm2, v4  }
0x7d: {  	v9 =	vld.idx.msk [tilespmem:v8+s4+$0x0], $0xffff;
	_ =	sdelay $0x4  }
0x7e: {  	[tilespmem:v7+s22+$0x0] =	vst.idx.add.f32.msk $0xffff, v9;
	_, v6, _ =	vpop (xrf1)  }
0x7f: {  	v10 =	vld.idx.msk [tilespmem:v7+s23+$0x0], $0xffff;
	vm2 =	veq.s32 v6, $0x1;
	_ =	sdelay $0x1  }
0x80: {  	v11 =	vor.u32 $0x80, v8;
	_ =	sdelay $0x2  }
0x81: {  	v10 =	vmax.f32 v10, v9  }
0x82: {  	[tilespmem:v7+s23+$0x0] =	vst.idx.msk vm2, v10  }
0x83: {  	v10 =	vld.idx.msk [tilespmem:v11+s4+$0x0], $0xffff;
	_ =	sdelay $0x4  }
0x84: {  	[tilespmem:v7+s24+$0x0] =	vst.idx.add.f32.msk $0xffff, v10  }
0x85: {  	vm3 =	vgt.s32 v6, $0x1;
	v59 =	vld.idx.msk [tilespmem:v7+s25+$0x0], $0xffff  }
0x86: {  	v12 =	vsel vm3, $0x3F800000, v2  }
0x87: {  	v13 =	vor.u32 $0x100, v8;
	(xrf0) =	vmax.scan.msk.f32 $0xffff, v12;
	_ =	sdelay $0x2  }
0x88: {  	v11 =	vmax.f32 v59, v10  }
0x89: {  	[tilespmem:v7+s25+$0x0] =	vst.idx.msk vm2, v11  }
0x8a: {  	v11 =	vld.idx.msk [tilespmem:v13+s4+$0x0], $0xffff  }
0x8b: {  	v12, _, _ =	vpop (xrf0)  }
0x8c: {  	(v2sf) =	vpush v12, $0xF;
	_ =	sdelay $0x2  }
0x8d: {  	[tilespmem:v7+s26+$0x0] =	vst.idx.add.f32.msk $0xffff, v11  }
0x8e: {  	v60 =	vld.idx.msk [tilespmem:v7+s28+$0x0], $0xffff;
	_ =	sdelay $0x1  }
0x8f: {  	v8 =	vor.u32 $0x180, v8;
	_ =	sdelay $0x2  }
0x90: {  	v12 =	vmax.f32 v60, v11  }
0x91: {  	[tilespmem:v7+s28+$0x0] =	vst.idx.msk vm2, v12  }
0x92: {  	v8 =	vld.idx.msk [tilespmem:v8+s4+$0x0], $0xffff;
	_ =	sdelay $0x3  }
0x93: {  	s7 =	spop (v2sf)  }
0x94: {  	p0 =	sgt.f32 s7, $0.0e+00;
	[tilespmem:v7+s29+$0x0] =	vst.idx.add.f32.msk $0xffff, v8  }
0x95: {  	v12 =	vld.idx.msk [tilespmem:v7+s30+$0x0], $0xffff  }
0x96: {  	vm3 =	veq.s32 @p0 v6, $0x2;
	_ =	sdelay $0x3  }
0x97: {  	v12 =	vmax.f32 v12, v8  }
0x98: {  	s7 =	simm.s32 @p0 $0x14000;
	[tilespmem:v7+s30+$0x0] =	vst.idx.msk vm2, v12  }
0x99: {  	v12 =	vld.idx.msk @p0 [tilespmem:v7+s7+$0x0], vm3;
	_ =	sdelay $0x4  }
0x9a: {  	v9 =	vmax.f32 @p0 v12, v9  }
0x9b: {  	[tilespmem:v7+s7+$0x0] =	vst.idx.msk @p0 vm3, v9;
	s7 =	simm.s32 @p0 $0x16800  }
0x9c: {  	v9 =	vld.idx.msk @p0 [tilespmem:v7+s7+$0x0], vm3;
	_ =	sdelay $0x4  }
0x9d: {  	v9 =	vmax.f32 @p0 v9, v10  }
0x9e: {  	[tilespmem:v7+s7+$0x0] =	vst.idx.msk @p0 vm3, v9;
	s7 =	simm.s32 @p0 $0x19000  }
0x9f: {  	v9 =	vld.idx.msk @p0 [tilespmem:v7+s7+$0x0], vm3;
	_ =	sdelay $0x4  }
0xa0: {  	v9 =	vmax.f32 @p0 v9, v11  }
0xa1: {  	[tilespmem:v7+s7+$0x0] =	vst.idx.msk @p0 vm3, v9;
	s7 =	simm.s32 @p0 $0x1B800  }
0xa2: {  	v9 =	vld.idx.msk @p0 [tilespmem:v7+s7+$0x0], vm3;
	_ =	sdelay $0x4  }
0xa3: {  	v8 =	vmax.f32 @p0 v9, v8  }
0xa4: {  	[tilespmem:v7+s7+$0x0] =	vst.idx.msk @p0 vm3, v8  }
0xa5: {  	v8 =	vld [tilespmem:s6+$0x1EE10];
	_ =	sdelay $0x1  }
0xa6: {  	v7 =	vld [tilespmem:s6+$0x1E190];
	_ =	sdelay $0x2  }
0xa7: {  	(xrf1) =	vunique.msk.u32 $0xffff, v8  }
0xa8: {  	vm2 =	vge.s32 v8, v0;
	vm3 =	vlt.s32 v8, v1  }
0xa9: {  	v61 =	vshll.u32 v7, $0x2;
	vm2 =	vmand vm2, vm3  }
0xaa: {  	v62 =	vsub.s32 v8, v0;
	v7 =	vand.u32 $0x7F, v7;
	v9 =	vand.u32 $0xFFFFFE00, v61  }
0xab: {  	v9 =	vor.u32 v7, v9;
	_ =	sdelay $0x3  }
0xac: {  	[tilespmem:v62+s21+$0x0] =	vst.idx.add.f32.msk vm2, v4  }
0xad: {  	v10 =	vld.idx.msk [tilespmem:v9+s4+$0x0], $0xffff;
	_ =	sdelay $0x4  }
0xae: {  	[tilespmem:v8+s22+$0x0] =	vst.idx.add.f32.msk $0xffff, v10;
	_, v7, _ =	vpop (xrf1)  }
0xaf: {  	v63 =	vld.idx.msk [tilespmem:v8+s23+$0x0], $0xffff;
	vm2 =	veq.s32 v7, $0x1;
	_ =	sdelay $0x1  }
0xb0: {  	v16 =	vor.u32 $0x80, v9;
	_ =	sdelay $0x2  }
0xb1: {  	v11 =	vmax.f32 v63, v10  }
0xb2: {  	[tilespmem:v8+s23+$0x0] =	vst.idx.msk vm2, v11  }
0xb3: {  	v11 =	vld.idx.msk [tilespmem:v16+s4+$0x0], $0xffff;
	_ =	sdelay $0x4  }
0xb4: {  	[tilespmem:v8+s24+$0x0] =	vst.idx.add.f32.msk $0xffff, v11  }
0xb5: {  	vm3 =	vgt.s32 v7, $0x1;
	v17 =	vld.idx.msk [tilespmem:v8+s25+$0x0], $0xffff  }
0xb6: {  	v18 =	vsel vm3, $0x3F800000, v2  }
0xb7: {  	v14 =	vor.u32 $0x100, v9;
	(xrf0) =	vmax.scan.msk.f32 $0xffff, v18;
	_ =	sdelay $0x2  }
0xb8: {  	v12 =	vmax.f32 v17, v11  }
0xb9: {  	[tilespmem:v8+s25+$0x0] =	vst.idx.msk vm2, v12  }
0xba: {  	v12 =	vld.idx.msk [tilespmem:v14+s4+$0x0], $0xffff  }
0xbb: {  	v13, _, _ =	vpop (xrf0)  }
0xbc: {  	(v2sf) =	vpush v13, $0xF;
	_ =	sdelay $0x2  }
0xbd: {  	[tilespmem:v8+s26+$0x0] =	vst.idx.add.f32.msk $0xffff, v12  }
0xbe: {  	v19 =	vld.idx.msk [tilespmem:v8+s28+$0x0], $0xffff;
	_ =	sdelay $0x1  }
0xbf: {  	v9 =	vor.u32 $0x180, v9;
	_ =	sdelay $0x2  }
0xc0: {  	v13 =	vmax.f32 v19, v12  }
0xc1: {  	[tilespmem:v8+s28+$0x0] =	vst.idx.msk vm2, v13  }
0xc2: {  	v9 =	vld.idx.msk [tilespmem:v9+s4+$0x0], $0xffff;
	_ =	sdelay $0x3  }
0xc3: {  	s7 =	spop (v2sf)  }
0xc4: {  	p0 =	sgt.f32 s7, $0.0e+00;
	[tilespmem:v8+s29+$0x0] =	vst.idx.add.f32.msk $0xffff, v9  }
0xc5: {  	v13 =	vld.idx.msk [tilespmem:v8+s30+$0x0], $0xffff  }
0xc6: {  	vm3 =	veq.s32 @p0 v7, $0x2;
	_ =	sdelay $0x3  }
0xc7: {  	v13 =	vmax.f32 v13, v9  }
0xc8: {  	s7 =	simm.s32 @p0 $0x14000;
	[tilespmem:v8+s30+$0x0] =	vst.idx.msk vm2, v13  }
0xc9: {  	v13 =	vld.idx.msk @p0 [tilespmem:v8+s7+$0x0], vm3;
	_ =	sdelay $0x4  }
0xca: {  	v10 =	vmax.f32 @p0 v13, v10  }
0xcb: {  	[tilespmem:v8+s7+$0x0] =	vst.idx.msk @p0 vm3, v10;
	s7 =	simm.s32 @p0 $0x16800  }
0xcc: {  	v10 =	vld.idx.msk @p0 [tilespmem:v8+s7+$0x0], vm3;
	_ =	sdelay $0x4  }
0xcd: {  	v10 =	vmax.f32 @p0 v10, v11  }
0xce: {  	[tilespmem:v8+s7+$0x0] =	vst.idx.msk @p0 vm3, v10;
	s7 =	simm.s32 @p0 $0x19000  }
0xcf: {  	v10 =	vld.idx.msk @p0 [tilespmem:v8+s7+$0x0], vm3;
	_ =	sdelay $0x4  }
0xd0: {  	v10 =	vmax.f32 @p0 v10, v12  }
0xd1: {  	[tilespmem:v8+s7+$0x0] =	vst.idx.msk @p0 vm3, v10;
	s7 =	simm.s32 @p0 $0x1B800  }
0xd2: {  	v10 =	vld.idx.msk @p0 [tilespmem:v8+s7+$0x0], vm3;
	_ =	sdelay $0x4  }
0xd3: {  	v9 =	vmax.f32 @p0 v10, v9  }
0xd4: {  	[tilespmem:v8+s7+$0x0] =	vst.idx.msk @p0 vm3, v9  }
0xd5: {  	v9 =	vld [tilespmem:s6+$0x1EE20];
	_ =	sdelay $0x1  }
0xd6: {  	v8 =	vld [tilespmem:s6+$0x1E1A0];
	_ =	sdelay $0x2  }
0xd7: {  	(xrf1) =	vunique.msk.u32 $0xffff, v9  }
0xd8: {  	vm2 =	vge.s32 v9, v0;
	vm3 =	vlt.s32 v9, v1  }
0xd9: {  	v20 =	vshll.u32 v8, $0x2;
	vm2 =	vmand vm2, vm3  }
0xda: {  	v21 =	vsub.s32 v9, v0;
	v8 =	vand.u32 $0x7F, v8;
	v10 =	vand.u32 $0xFFFFFE00, v20  }
0xdb: {  	v10 =	vor.u32 v8, v10;
	_ =	sdelay $0x3  }
0xdc: {  	[tilespmem:v21+s21+$0x0] =	vst.idx.add.f32.msk vm2, v4  }
0xdd: {  	v11 =	vld.idx.msk [tilespmem:v10+s4+$0x0], $0xffff;
	_ =	sdelay $0x4  }
0xde: {  	[tilespmem:v9+s22+$0x0] =	vst.idx.add.f32.msk $0xffff, v11;
	_, v8, _ =	vpop (xrf1)  }
0xdf: {  	v22 =	vld.idx.msk [tilespmem:v9+s23+$0x0], $0xffff;
	vm2 =	veq.s32 v8, $0x1;
	_ =	sdelay $0x1  }
0xe0: {  	v23 =	vor.u32 $0x80, v10;
	_ =	sdelay $0x2  }
0xe1: {  	v12 =	vmax.f32 v22, v11  }
0xe2: {  	[tilespmem:v9+s23+$0x0] =	vst.idx.msk vm2, v12  }
0xe3: {  	v12 =	vld.idx.msk [tilespmem:v23+s4+$0x0], $0xffff;
	_ =	sdelay $0x4  }
0xe4: {  	[tilespmem:v9+s24+$0x0] =	vst.idx.add.f32.msk $0xffff, v12  }
0xe5: {  	vm3 =	vgt.s32 v8, $0x1;
	v24 =	vld.idx.msk [tilespmem:v9+s25+$0x0], $0xffff  }
0xe6: {  	v25 =	vsel vm3, $0x3F800000, v2  }
0xe7: {  	v15 =	vor.u32 $0x100, v10;
	(xrf0) =	vmax.scan.msk.f32 $0xffff, v25;
	_ =	sdelay $0x2  }
0xe8: {  	v13 =	vmax.f32 v24, v12  }
0xe9: {  	[tilespmem:v9+s25+$0x0] =	vst.idx.msk vm2, v13  }
0xea: {  	v13 =	vld.idx.msk [tilespmem:v15+s4+$0x0], $0xffff  }
0xeb: {  	v14, _, _ =	vpop (xrf0)  }
0xec: {  	(v2sf) =	vpush v14, $0xF;
	_ =	sdelay $0x2  }
0xed: {  	[tilespmem:v9+s26+$0x0] =	vst.idx.add.f32.msk $0xffff, v13  }
0xee: {  	v26 =	vld.idx.msk [tilespmem:v9+s28+$0x0], $0xffff;
	_ =	sdelay $0x1  }
0xef: {  	v10 =	vor.u32 $0x180, v10;
	_ =	sdelay $0x2  }
0xf0: {  	v14 =	vmax.f32 v26, v13  }
0xf1: {  	[tilespmem:v9+s28+$0x0] =	vst.idx.msk vm2, v14  }
0xf2: {  	v10 =	vld.idx.msk [tilespmem:v10+s4+$0x0], $0xffff;
	_ =	sdelay $0x3  }
0xf3: {  	s7 =	spop (v2sf)  }
0xf4: {  	p0 =	sgt.f32 s7, $0.0e+00;
	[tilespmem:v9+s29+$0x0] =	vst.idx.add.f32.msk $0xffff, v10  }
0xf5: {  	v14 =	vld.idx.msk [tilespmem:v9+s30+$0x0], $0xffff  }
0xf6: {  	vm3 =	veq.s32 @p0 v8, $0x2;
	_ =	sdelay $0x3  }
0xf7: {  	v14 =	vmax.f32 v14, v10  }
0xf8: {  	s7 =	simm.s32 @p0 $0x14000;
	[tilespmem:v9+s30+$0x0] =	vst.idx.msk vm2, v14  }
0xf9: {  	v14 =	vld.idx.msk @p0 [tilespmem:v9+s7+$0x0], vm3;
	_ =	sdelay $0x4  }
0xfa: {  	v11 =	vmax.f32 @p0 v14, v11  }
0xfb: {  	[tilespmem:v9+s7+$0x0] =	vst.idx.msk @p0 vm3, v11;
	s7 =	simm.s32 @p0 $0x16800  }
0xfc: {  	v11 =	vld.idx.msk @p0 [tilespmem:v9+s7+$0x0], vm3;
	_ =	sdelay $0x4  }
0xfd: {  	v11 =	vmax.f32 @p0 v11, v12  }
0xfe: {  	[tilespmem:v9+s7+$0x0] =	vst.idx.msk @p0 vm3, v11;
	s7 =	simm.s32 @p0 $0x19000  }
0xff: {  	v11 =	vld.idx.msk @p0 [tilespmem:v9+s7+$0x0], vm3;
	_ =	sdelay $0x4  }
0x100: {  	v11 =	vmax.f32 @p0 v11, v13  }
0x101: {  	[tilespmem:v9+s7+$0x0] =	vst.idx.msk @p0 vm3, v11;
	s7 =	simm.s32 @p0 $0x1B800  }
0x102: {  	v11 =	vld.idx.msk @p0 [tilespmem:v9+s7+$0x0], vm3;
	_ =	sdelay $0x4  }
0x103: {  	v10 =	vmax.f32 @p0 v11, v10  }
0x104: {  	[tilespmem:v9+s7+$0x0] =	vst.idx.msk @p0 vm3, v10  }
0x105: {  	v10 =	vld [tilespmem:s6+$0x1EE30];
	_ =	sdelay $0x1  }
0x106: {  	v9 =	vld [tilespmem:s6+$0x1E1B0];
	_ =	sdelay $0x2  }
0x107: {  	(xrf1) =	vunique.msk.u32 $0xffff, v10  }
0x108: {  	vm2 =	vge.s32 v10, v0;
	vm3 =	vlt.s32 v10, v1  }
0x109: {  	v27 =	vshll.u32 v9, $0x2;
	vm2 =	vmand vm2, vm3  }
0x10a: {  	v28 =	vsub.s32 v10, v0;
	v9 =	vand.u32 $0x7F, v9;
	v11 =	vand.u32 $0xFFFFFE00, v27  }
0x10b: {  	v11 =	vor.u32 v9, v11;
	_ =	sdelay $0x3  }
0x10c: {  	[tilespmem:v28+s21+$0x0] =	vst.idx.add.f32.msk vm2, v4  }
0x10d: {  	v12 =	vld.idx.msk [tilespmem:v11+s4+$0x0], $0xffff;
	_ =	sdelay $0x4  }
0x10e: {  	[tilespmem:v10+s22+$0x0] =	vst.idx.add.f32.msk $0xffff, v12;
	_, v9, _ =	vpop (xrf1)  }
0x10f: {  	v29 =	vld.idx.msk [tilespmem:v10+s23+$0x0], $0xffff;
	vm2 =	veq.s32 v9, $0x1;
	_ =	sdelay $0x1  }
0x110: {  	v30 =	vor.u32 $0x80, v11;
	_ =	sdelay $0x2  }
0x111: {  	v13 =	vmax.f32 v29, v12  }
0x112: {  	[tilespmem:v10+s23+$0x0] =	vst.idx.msk vm2, v13  }
0x113: {  	v13 =	vld.idx.msk [tilespmem:v30+s4+$0x0], $0xffff;
	_ =	sdelay $0x4  }
0x114: {  	[tilespmem:v10+s24+$0x0] =	vst.idx.add.f32.msk $0xffff, v13  }
0x115: {  	vm3 =	vgt.s32 v9, $0x1;
	v31 =	vld.idx.msk [tilespmem:v10+s25+$0x0], $0xffff  }
0x116: {  	v32 =	vsel vm3, $0x3F800000, v2  }
0x117: {  	v16 =	vor.u32 $0x100, v11;
	(xrf0) =	vmax.scan.msk.f32 $0xffff, v32;
	_ =	sdelay $0x2  }
0x118: {  	v14 =	vmax.f32 v31, v13  }
0x119: {  	[tilespmem:v10+s25+$0x0] =	vst.idx.msk vm2, v14  }
0x11a: {  	v14 =	vld.idx.msk [tilespmem:v16+s4+$0x0], $0xffff  }
0x11b: {  	v15, _, _ =	vpop (xrf0)  }
0x11c: {  	(v2sf) =	vpush v15, $0xF;
	_ =	sdelay $0x2  }
0x11d: {  	[tilespmem:v10+s26+$0x0] =	vst.idx.add.f32.msk $0xffff, v14  }
0x11e: {  	v33 =	vld.idx.msk [tilespmem:v10+s28+$0x0], $0xffff;
	_ =	sdelay $0x1  }
0x11f: {  	v11 =	vor.u32 $0x180, v11;
	_ =	sdelay $0x2  }
0x120: {  	v15 =	vmax.f32 v33, v14  }
0x121: {  	[tilespmem:v10+s28+$0x0] =	vst.idx.msk vm2, v15  }
0x122: {  	v11 =	vld.idx.msk [tilespmem:v11+s4+$0x0], $0xffff;
	_ =	sdelay $0x3  }
0x123: {  	s7 =	spop (v2sf)  }
0x124: {  	p0 =	sgt.f32 s7, $0.0e+00;
	[tilespmem:v10+s29+$0x0] =	vst.idx.add.f32.msk $0xffff, v11  }
0x125: {  	v15 =	vld.idx.msk [tilespmem:v10+s30+$0x0], $0xffff  }
0x126: {  	vm3 =	veq.s32 @p0 v9, $0x2;
	_ =	sdelay $0x3  }
0x127: {  	v15 =	vmax.f32 v15, v11  }
0x128: {  	s7 =	simm.s32 @p0 $0x14000;
	[tilespmem:v10+s30+$0x0] =	vst.idx.msk vm2, v15  }
0x129: {  	v15 =	vld.idx.msk @p0 [tilespmem:v10+s7+$0x0], vm3;
	_ =	sdelay $0x4  }
0x12a: {  	v12 =	vmax.f32 @p0 v15, v12  }
0x12b: {  	[tilespmem:v10+s7+$0x0] =	vst.idx.msk @p0 vm3, v12;
	s7 =	simm.s32 @p0 $0x16800  }
0x12c: {  	v12 =	vld.idx.msk @p0 [tilespmem:v10+s7+$0x0], vm3;
	_ =	sdelay $0x4  }
0x12d: {  	v12 =	vmax.f32 @p0 v12, v13  }
0x12e: {  	[tilespmem:v10+s7+$0x0] =	vst.idx.msk @p0 vm3, v12;
	s7 =	simm.s32 @p0 $0x19000  }
0x12f: {  	v12 =	vld.idx.msk @p0 [tilespmem:v10+s7+$0x0], vm3;
	_ =	sdelay $0x4  }
0x130: {  	v12 =	vmax.f32 @p0 v12, v14  }
0x131: {  	[tilespmem:v10+s7+$0x0] =	vst.idx.msk @p0 vm3, v12;
	s7 =	simm.s32 @p0 $0x1B800  }
0x132: {  	v12 =	vld.idx.msk @p0 [tilespmem:v10+s7+$0x0], vm3;
	_ =	sdelay $0x4  }
0x133: {  	v11 =	vmax.f32 @p0 v12, v11  }
0x134: {  	[tilespmem:v10+s7+$0x0] =	vst.idx.msk @p0 vm3, v11  }
0x135: {  	v11 =	vld [tilespmem:s6+$0x1EE40];
	_ =	sdelay $0x1  }
0x136: {  	v10 =	vld [tilespmem:s6+$0x1E1C0];
	_ =	sdelay $0x2  }
0x137: {  	(xrf1) =	vunique.msk.u32 $0xffff, v11  }
0x138: {  	vm2 =	vge.s32 v11, v0;
	vm3 =	vlt.s32 v11, v1  }
0x139: {  	v34 =	vshll.u32 v10, $0x2;
	vm2 =	vmand vm2, vm3  }
0x13a: {  	v35 =	vsub.s32 v11, v0;
	v10 =	vand.u32 $0x7F, v10;
	v12 =	vand.u32 $0xFFFFFE00, v34  }
0x13b: {  	v12 =	vor.u32 v10, v12;
	_ =	sdelay $0x3  }
0x13c: {  	[tilespmem:v35+s21+$0x0] =	vst.idx.add.f32.msk vm2, v4  }
0x13d: {  	v13 =	vld.idx.msk [tilespmem:v12+s4+$0x0], $0xffff;
	_ =	sdelay $0x4  }
0x13e: {  	[tilespmem:v11+s22+$0x0] =	vst.idx.add.f32.msk $0xffff, v13;
	_, v10, _ =	vpop (xrf1)  }
0x13f: {  	v36 =	vld.idx.msk [tilespmem:v11+s23+$0x0], $0xffff;
	vm2 =	veq.s32 v10, $0x1;
	_ =	sdelay $0x1  }
0x140: {  	v37 =	vor.u32 $0x80, v12;
	_ =	sdelay $0x2  }
0x141: {  	v14 =	vmax.f32 v36, v13  }
0x142: {  	[tilespmem:v11+s23+$0x0] =	vst.idx.msk vm2, v14  }
0x143: {  	v14 =	vld.idx.msk [tilespmem:v37+s4+$0x0], $0xffff;
	_ =	sdelay $0x4  }
0x144: {  	[tilespmem:v11+s24+$0x0] =	vst.idx.add.f32.msk $0xffff, v14  }
0x145: {  	vm3 =	vgt.s32 v10, $0x1;
	v38 =	vld.idx.msk [tilespmem:v11+s25+$0x0], $0xffff  }
0x146: {  	v39 =	vsel vm3, $0x3F800000, v2  }
0x147: {  	v17 =	vor.u32 $0x100, v12;
	(xrf0) =	vmax.scan.msk.f32 $0xffff, v39;
	_ =	sdelay $0x2  }
0x148: {  	v15 =	vmax.f32 v38, v14  }
0x149: {  	[tilespmem:v11+s25+$0x0] =	vst.idx.msk vm2, v15  }
0x14a: {  	v15 =	vld.idx.msk [tilespmem:v17+s4+$0x0], $0xffff  }
0x14b: {  	v16, _, _ =	vpop (xrf0)  }
0x14c: {  	(v2sf) =	vpush v16, $0xF;
	_ =	sdelay $0x2  }
0x14d: {  	[tilespmem:v11+s26+$0x0] =	vst.idx.add.f32.msk $0xffff, v15  }
0x14e: {  	v40 =	vld.idx.msk [tilespmem:v11+s28+$0x0], $0xffff;
	_ =	sdelay $0x1  }
0x14f: {  	v12 =	vor.u32 $0x180, v12;
	_ =	sdelay $0x2  }
0x150: {  	v16 =	vmax.f32 v40, v15  }
0x151: {  	[tilespmem:v11+s28+$0x0] =	vst.idx.msk vm2, v16  }
0x152: {  	v12 =	vld.idx.msk [tilespmem:v12+s4+$0x0], $0xffff;
	_ =	sdelay $0x3  }
0x153: {  	s7 =	spop (v2sf)  }
0x154: {  	p0 =	sgt.f32 s7, $0.0e+00;
	[tilespmem:v11+s29+$0x0] =	vst.idx.add.f32.msk $0xffff, v12  }
0x155: {  	v16 =	vld.idx.msk [tilespmem:v11+s30+$0x0], $0xffff  }
0x156: {  	vm3 =	veq.s32 @p0 v10, $0x2;
	_ =	sdelay $0x3  }
0x157: {  	v16 =	vmax.f32 v16, v12  }
0x158: {  	s7 =	simm.s32 @p0 $0x14000;
	[tilespmem:v11+s30+$0x0] =	vst.idx.msk vm2, v16  }
0x159: {  	v16 =	vld.idx.msk @p0 [tilespmem:v11+s7+$0x0], vm3;
	_ =	sdelay $0x4  }
0x15a: {  	v13 =	vmax.f32 @p0 v16, v13  }
0x15b: {  	[tilespmem:v11+s7+$0x0] =	vst.idx.msk @p0 vm3, v13;
	s7 =	simm.s32 @p0 $0x16800  }
0x15c: {  	v13 =	vld.idx.msk @p0 [tilespmem:v11+s7+$0x0], vm3;
	_ =	sdelay $0x4  }
0x15d: {  	v13 =	vmax.f32 @p0 v13, v14  }
0x15e: {  	[tilespmem:v11+s7+$0x0] =	vst.idx.msk @p0 vm3, v13;
	s7 =	simm.s32 @p0 $0x19000  }
0x15f: {  	v13 =	vld.idx.msk @p0 [tilespmem:v11+s7+$0x0], vm3;
	_ =	sdelay $0x4  }
0x160: {  	v13 =	vmax.f32 @p0 v13, v15  }
0x161: {  	[tilespmem:v11+s7+$0x0] =	vst.idx.msk @p0 vm3, v13;
	s7 =	simm.s32 @p0 $0x1B800  }
0x162: {  	v13 =	vld.idx.msk @p0 [tilespmem:v11+s7+$0x0], vm3;
	_ =	sdelay $0x4  }
0x163: {  	v12 =	vmax.f32 @p0 v13, v12  }
0x164: {  	[tilespmem:v11+s7+$0x0] =	vst.idx.msk @p0 vm3, v12  }
0x165: {  	v12 =	vld [tilespmem:s6+$0x1EE50];
	_ =	sdelay $0x1  }
0x166: {  	v11 =	vld [tilespmem:s6+$0x1E1D0];
	_ =	sdelay $0x2  }
0x167: {  	(xrf1) =	vunique.msk.u32 $0xffff, v12  }
0x168: {  	vm2 =	vge.s32 v12, v0;
	vm3 =	vlt.s32 v12, v1  }
0x169: {  	v41 =	vshll.u32 v11, $0x2;
	vm2 =	vmand vm2, vm3  }
0x16a: {  	v42 =	vsub.s32 v12, v0;
	v11 =	vand.u32 $0x7F, v11;
	v13 =	vand.u32 $0xFFFFFE00, v41  }
0x16b: {  	v13 =	vor.u32 v11, v13;
	_ =	sdelay $0x3  }
0x16c: {  	[tilespmem:v42+s21+$0x0] =	vst.idx.add.f32.msk vm2, v4  }
0x16d: {  	v14 =	vld.idx.msk [tilespmem:v13+s4+$0x0], $0xffff;
	_ =	sdelay $0x4  }
0x16e: {  	[tilespmem:v12+s22+$0x0] =	vst.idx.add.f32.msk $0xffff, v14;
	_, v11, _ =	vpop (xrf1)  }
0x16f: {  	v43 =	vld.idx.msk [tilespmem:v12+s23+$0x0], $0xffff;
	vm2 =	veq.s32 v11, $0x1;
	_ =	sdelay $0x1  }
0x170: {  	v44 =	vor.u32 $0x80, v13;
	_ =	sdelay $0x2  }
0x171: {  	v15 =	vmax.f32 v43, v14  }
0x172: {  	[tilespmem:v12+s23+$0x0] =	vst.idx.msk vm2, v15  }
0x173: {  	v15 =	vld.idx.msk [tilespmem:v44+s4+$0x0], $0xffff;
	_ =	sdelay $0x4  }
0x174: {  	[tilespmem:v12+s24+$0x0] =	vst.idx.add.f32.msk $0xffff, v15  }
0x175: {  	vm3 =	vgt.s32 v11, $0x1;
	v45 =	vld.idx.msk [tilespmem:v12+s25+$0x0], $0xffff  }
0x176: {  	v46 =	vsel vm3, $0x3F800000, v2  }
0x177: {  	v18 =	vor.u32 $0x100, v13;
	(xrf0) =	vmax.scan.msk.f32 $0xffff, v46;
	_ =	sdelay $0x2  }
0x178: {  	v16 =	vmax.f32 v45, v15  }
0x179: {  	[tilespmem:v12+s25+$0x0] =	vst.idx.msk vm2, v16  }
0x17a: {  	v16 =	vld.idx.msk [tilespmem:v18+s4+$0x0], $0xffff  }
0x17b: {  	v17, _, _ =	vpop (xrf0)  }
0x17c: {  	(v2sf) =	vpush v17, $0xF;
	_ =	sdelay $0x2  }
0x17d: {  	[tilespmem:v12+s26+$0x0] =	vst.idx.add.f32.msk $0xffff, v16  }
0x17e: {  	v47 =	vld.idx.msk [tilespmem:v12+s28+$0x0], $0xffff;
	_ =	sdelay $0x1  }
0x17f: {  	v13 =	vor.u32 $0x180, v13;
	_ =	sdelay $0x2  }
0x180: {  	v17 =	vmax.f32 v47, v16  }
0x181: {  	[tilespmem:v12+s28+$0x0] =	vst.idx.msk vm2, v17  }
0x182: {  	v13 =	vld.idx.msk [tilespmem:v13+s4+$0x0], $0xffff;
	_ =	sdelay $0x3  }
0x183: {  	s7 =	spop (v2sf)  }
0x184: {  	p0 =	sgt.f32 s7, $0.0e+00;
	[tilespmem:v12+s29+$0x0] =	vst.idx.add.f32.msk $0xffff, v13  }
0x185: {  	v17 =	vld.idx.msk [tilespmem:v12+s30+$0x0], $0xffff  }
0x186: {  	vm3 =	veq.s32 @p0 v11, $0x2;
	_ =	sdelay $0x3  }
0x187: {  	v17 =	vmax.f32 v17, v13  }
0x188: {  	s7 =	simm.s32 @p0 $0x14000;
	[tilespmem:v12+s30+$0x0] =	vst.idx.msk vm2, v17  }
0x189: {  	v17 =	vld.idx.msk @p0 [tilespmem:v12+s7+$0x0], vm3;
	_ =	sdelay $0x4  }
0x18a: {  	v14 =	vmax.f32 @p0 v17, v14  }
0x18b: {  	[tilespmem:v12+s7+$0x0] =	vst.idx.msk @p0 vm3, v14;
	s7 =	simm.s32 @p0 $0x16800  }
0x18c: {  	v14 =	vld.idx.msk @p0 [tilespmem:v12+s7+$0x0], vm3;
	_ =	sdelay $0x4  }
0x18d: {  	v14 =	vmax.f32 @p0 v14, v15  }
0x18e: {  	[tilespmem:v12+s7+$0x0] =	vst.idx.msk @p0 vm3, v14;
	s7 =	simm.s32 @p0 $0x19000  }
0x18f: {  	v14 =	vld.idx.msk @p0 [tilespmem:v12+s7+$0x0], vm3;
	_ =	sdelay $0x4  }
0x190: {  	v14 =	vmax.f32 @p0 v14, v16  }
0x191: {  	[tilespmem:v12+s7+$0x0] =	vst.idx.msk @p0 vm3, v14;
	s7 =	simm.s32 @p0 $0x1B800  }
0x192: {  	v14 =	vld.idx.msk @p0 [tilespmem:v12+s7+$0x0], vm3;
	_ =	sdelay $0x4  }
0x193: {  	v13 =	vmax.f32 @p0 v14, v13  }
0x194: {  	[tilespmem:v12+s7+$0x0] =	vst.idx.msk @p0 vm3, v13  }
0x195: {  	v12 =	vld [tilespmem:s6+$0x1EE60];
	_ =	sdelay $0x1  }
0x196: {  	v13 =	vld [tilespmem:s6+$0x1E1E0];
	_ =	sdelay $0x2  }
0x197: {  	(xrf1) =	vunique.msk.u32 $0xffff, v12  }
0x198: {  	vm2 =	vge.s32 v12, v0;
	vm3 =	vlt.s32 v12, v1  }
0x199: {  	v48 =	vshll.u32 v13, $0x2;
	vm2 =	vmand vm2, vm3  }
0x19a: {  	v49 =	vsub.s32 v12, v0;
	v13 =	vand.u32 $0x7F, v13;
	v14 =	vand.u32 $0xFFFFFE00, v48  }
0x19b: {  	v13 =	vor.u32 v13, v14;
	_ =	sdelay $0x3  }
0x19c: {  	[tilespmem:v49+s21+$0x0] =	vst.idx.add.f32.msk vm2, v4  }
0x19d: {  	v14 =	vld.idx.msk [tilespmem:v13+s4+$0x0], $0xffff;
	_ =	sdelay $0x4  }
0x19e: {  	[tilespmem:v12+s22+$0x0] =	vst.idx.add.f32.msk $0xffff, v14;
	_, v15, _ =	vpop (xrf1)  }
0x19f: {  	v50 =	vld.idx.msk [tilespmem:v12+s23+$0x0], $0xffff;
	vm2 =	veq.s32 v15, $0x1;
	_ =	sdelay $0x1  }
0x1a0: {  	v51 =	vor.u32 $0x80, v13;
	_ =	sdelay $0x2  }
0x1a1: {  	v16 =	vmax.f32 v50, v14  }
0x1a2: {  	[tilespmem:v12+s23+$0x0] =	vst.idx.msk vm2, v16  }
0x1a3: {  	v16 =	vld.idx.msk [tilespmem:v51+s4+$0x0], $0xffff;
	_ =	sdelay $0x4  }
0x1a4: {  	[tilespmem:v12+s24+$0x0] =	vst.idx.add.f32.msk $0xffff, v16  }
0x1a5: {  	vm3 =	vgt.s32 v15, $0x1;
	v52 =	vld.idx.msk [tilespmem:v12+s25+$0x0], $0xffff  }
0x1a6: {  	v53 =	vsel vm3, $0x3F800000, v2  }
0x1a7: {  	v19 =	vor.u32 $0x100, v13;
	(xrf0) =	vmax.scan.msk.f32 $0xffff, v53;
	_ =	sdelay $0x2  }
0x1a8: {  	v17 =	vmax.f32 v52, v16  }
0x1a9: {  	[tilespmem:v12+s25+$0x0] =	vst.idx.msk vm2, v17  }
0x1aa: {  	v17 =	vld.idx.msk [tilespmem:v19+s4+$0x0], $0xffff  }
0x1ab: {  	v18, _, _ =	vpop (xrf0)  }
0x1ac: {  	(v2sf) =	vpush v18, $0xF;
	_ =	sdelay $0x2  }
0x1ad: {  	[tilespmem:v12+s26+$0x0] =	vst.idx.add.f32.msk $0xffff, v17  }
0x1ae: {  	v54 =	vld.idx.msk [tilespmem:v12+s28+$0x0], $0xffff;
	_ =	sdelay $0x1  }
0x1af: {  	v13 =	vor.u32 $0x180, v13;
	_ =	sdelay $0x2  }
0x1b0: {  	v18 =	vmax.f32 v54, v17  }
0x1b1: {  	[tilespmem:v12+s28+$0x0] =	vst.idx.msk vm2, v18  }
0x1b2: {  	v13 =	vld.idx.msk [tilespmem:v13+s4+$0x0], $0xffff;
	_ =	sdelay $0x3  }
0x1b3: {  	s7 =	spop (v2sf)  }
0x1b4: {  	p0 =	sgt.f32 s7, $0.0e+00;
	[tilespmem:v12+s29+$0x0] =	vst.idx.add.f32.msk $0xffff, v13  }
0x1b5: {  	v18 =	vld.idx.msk [tilespmem:v12+s30+$0x0], $0xffff  }
0x1b6: {  	vm3 =	veq.s32 @p0 v15, $0x2;
	_ =	sdelay $0x3  }
0x1b7: {  	v18 =	vmax.f32 v18, v13  }
0x1b8: {  	s7 =	simm.s32 @p0 $0x14000;
	[tilespmem:v12+s30+$0x0] =	vst.idx.msk vm2, v18  }
0x1b9: {  	v18 =	vld.idx.msk @p0 [tilespmem:v12+s7+$0x0], vm3;
	_ =	sdelay $0x4  }
0x1ba: {  	v14 =	vmax.f32 @p0 v18, v14  }
0x1bb: {  	[tilespmem:v12+s7+$0x0] =	vst.idx.msk @p0 vm3, v14;
	s7 =	simm.s32 @p0 $0x16800  }
0x1bc: {  	v14 =	vld.idx.msk @p0 [tilespmem:v12+s7+$0x0], vm3;
	_ =	sdelay $0x4  }
0x1bd: {  	v14 =	vmax.f32 @p0 v14, v16  }
0x1be: {  	[tilespmem:v12+s7+$0x0] =	vst.idx.msk @p0 vm3, v14;
	s7 =	simm.s32 @p0 $0x19000  }
0x1bf: {  	v14 =	vld.idx.msk @p0 [tilespmem:v12+s7+$0x0], vm3;
	_ =	sdelay $0x4  }
0x1c0: {  	v14 =	vmax.f32 @p0 v14, v17  }
0x1c1: {  	[tilespmem:v12+s7+$0x0] =	vst.idx.msk @p0 vm3, v14;
	s7 =	simm.s32 @p0 $0x1B800  }
0x1c2: {  	v14 =	vld.idx.msk @p0 [tilespmem:v12+s7+$0x0], vm3;
	_ =	sdelay $0x4  }
0x1c3: {  	v13 =	vmax.f32 @p0 v14, v13  }
0x1c4: {  	[tilespmem:v12+s7+$0x0] =	vst.idx.msk @p0 vm3, v13  }
0x1c5: {  	v12 =	vld [tilespmem:s6+$0x1EE70];
	_ =	sdelay $0x1  }
0x1c6: {  	v13 =	vld [tilespmem:s6+$0x1E1F0];
	_ =	sdelay $0x2  }
0x1c7: {  	(xrf1) =	vunique.msk.u32 $0xffff, v12  }
0x1c8: {  	vm2 =	vge.s32 v12, v0;
	vm3 =	vlt.s32 v12, v1  }
0x1c9: {  	v55 =	vshll.u32 v13, $0x2;
	vm2 =	vmand vm2, vm3  }
0x1ca: {  	v56 =	vsub.s32 v12, v0;
	v13 =	vand.u32 $0x7F, v13;
	v14 =	vand.u32 $0xFFFFFE00, v55  }
0x1cb: {  	v13 =	vor.u32 v13, v14;
	_ =	sdelay $0x3  }
0x1cc: {  	[tilespmem:v56+s21+$0x0] =	vst.idx.add.f32.msk vm2, v4  }
0x1cd: {  	v14 =	vld.idx.msk [tilespmem:v13+s4+$0x0], $0xffff;
	_ =	sdelay $0x4  }
0x1ce: {  	[tilespmem:v12+s22+$0x0] =	vst.idx.add.f32.msk $0xffff, v14;
	_, v16, _ =	vpop (xrf1)  }
0x1cf: {  	v57 =	vld.idx.msk [tilespmem:v12+s23+$0x0], $0xffff;
	vm3 =	veq.s32 v16, $0x1;
	_ =	sdelay $0x1  }
0x1d0: {  	v58 =	vor.u32 $0x80, v13;
	_ =	sdelay $0x2  }
0x1d1: {  	v17 =	vmax.f32 v57, v14  }
0x1d2: {  	[tilespmem:v12+s23+$0x0] =	vst.idx.msk vm3, v17  }
0x1d3: {  	v17 =	vld.idx.msk [tilespmem:v58+s4+$0x0], $0xffff;
	_ =	sdelay $0x4  }
0x1d4: {  	[tilespmem:v12+s24+$0x0] =	vst.idx.add.f32.msk $0xffff, v17  }
0x1d5: {  	vm2 =	vgt.s32 v16, $0x1;
	v59 =	vld.idx.msk [tilespmem:v12+s25+$0x0], $0xffff  }
0x1d6: {  	v60 =	vsel vm2, $0x3F800000, v2  }
0x1d7: {  	v61 =	vor.u32 $0x100, v13;
	(xrf0) =	vmax.scan.msk.f32 $0xffff, v60;
	_ =	sdelay $0x2  }
0x1d8: {  	v18 =	vmax.f32 v59, v17  }
0x1d9: {  	[tilespmem:v12+s25+$0x0] =	vst.idx.msk vm3, v18  }
0x1da: {  	v18 =	vld.idx.msk [tilespmem:v61+s4+$0x0], $0xffff  }
0x1db: {  	v62, _, _ =	vpop (xrf0)  }
0x1dc: {  	(v2sf) =	vpush v62, $0xF;
	_ =	sdelay $0x2  }
0x1dd: {  	[tilespmem:v12+s26+$0x0] =	vst.idx.add.f32.msk $0xffff, v18  }
0x1de: {  	v63 =	vld.idx.msk [tilespmem:v12+s28+$0x0], $0xffff;
	_ =	sdelay $0x1  }
0x1df: {  	v13 =	vor.u32 $0x180, v13;
	_ =	sdelay $0x2  }
0x1e0: {  	v19 =	vmax.f32 v63, v18  }
0x1e1: {  	[tilespmem:v12+s28+$0x0] =	vst.idx.msk vm3, v19  }
0x1e2: {  	v13 =	vld.idx.msk [tilespmem:v13+s4+$0x0], $0xffff;
	_ =	sdelay $0x3  }
0x1e3: {  	s7 =	spop (v2sf)  }
0x1e4: {  	p0 =	sgt.f32 s7, $0.0e+00;
	[tilespmem:v12+s29+$0x0] =	vst.idx.add.f32.msk $0xffff, v13  }
0x1e5: {  	v19 =	vld.idx.msk [tilespmem:v12+s30+$0x0], $0xffff  }
0x1e6: {  	vm2 =	veq.s32 @p0 v16, $0x2;
	_ =	sdelay $0x3  }
0x1e7: {  	v19 =	vmax.f32 v19, v13  }
0x1e8: {  	s6 =	simm.s32 @p0 $0x14000;
	[tilespmem:v12+s30+$0x0] =	vst.idx.msk vm3, v19  }
0x1e9: {  	v19 =	vld.idx.msk @p0 [tilespmem:v12+s6+$0x0], vm2;
	_ =	sdelay $0x4  }
0x1ea: {  	v14 =	vmax.f32 @p0 v19, v14  }
0x1eb: {  	[tilespmem:v12+s6+$0x0] =	vst.idx.msk @p0 vm2, v14;
	s6 =	simm.s32 @p0 $0x16800  }
0x1ec: {  	v14 =	vld.idx.msk @p0 [tilespmem:v12+s6+$0x0], vm2;
	_ =	sdelay $0x4  }
0x1ed: {  	v14 =	vmax.f32 @p0 v14, v17  }
0x1ee: {  	[tilespmem:v12+s6+$0x0] =	vst.idx.msk @p0 vm2, v14;
	s6 =	simm.s32 @p0 $0x19000  }
0x1ef: {  	v14 =	vld.idx.msk @p0 [tilespmem:v12+s6+$0x0], vm2;
	_ =	sdelay $0x4  }
0x1f0: {  	vm4 =	vgt.s32 v7, $0x2;
	vm3 =	vgt.s32 v6, $0x2;
	v6 =	vmax.f32 @p0 v14, v18  }
0x1f1: {  	vm5 =	vgt.s32 v8, $0x2;
	vm3 =	vmor vm3, vm4;
	[tilespmem:v12+s6+$0x0] =	vst.idx.msk @p0 vm2, v6;
	s6 =	simm.s32 @p0 $0x1B800  }
0x1f2: {  	s5 =	sadd.s32 $0x200, s5;
	vm11 =	vgt.s32 v9, $0x2;
	vm3 =	vmor vm3, vm5;
	v6 =	vld.idx.msk @p0 [tilespmem:v12+s6+$0x0], vm2  }
0x1f3: {  	p1 =	sne.s32 s5, $0x3200;
	vm12 =	vgt.s32 v10, $0x2;
	vm3 =	vmor vm3, vm11  }
.Ltmp5:
0x1f4: {  	vm13 =	vgt.s32 v11, $0x2;
	vm3 =	vmor vm3, vm12;
	(pc) =	sbr.rel @p1 .LBB2_5-.Ltmp5, $4  }
0x1f5: {  	vm14 =	vgt.s32 v15, $0x2;
	vm3 =	vmor vm3, vm13  }
0x1f6: {  	vm15 =	vgt.s32 v16, $0x2;
	vm3 =	vmor vm3, vm14  }
0x1f7: {  	vm3 =	vmor vm3, vm15;
	v6 =	vmax.f32 @p0 v6, v13  }
0x1f8: {  	vm1 =	vmor vm1, vm3;
	[tilespmem:v12+s6+$0x0] =	vst.idx.msk @p0 vm2, v6  }
0x1f9: {  	v6 =	vsel vm1, $0x3F800000, v2  }
0x1fa: {  	(xrf0) =	vmax.scan.msk.f32 $0xffff, v6;
	_ =	sdelay $0x5  }
0x1fb: {  	v6, _, _ =	vpop (xrf0)  }
0x1fc: {  	(v2sf) =	vpush v6, $0xF;
	_ =	sdelay $0xe  }
0x1fd: {  	s5 =	spop (v2sf)  }
0x1fe: {  	p0 =	sgt.f32 s5, $0.0e+00  }
.Ltmp6:
0x1ff: {  	_ = 	snop;
	(pc) =	sbr.rel @!p0 .LBB2_16-.Ltmp6, $2  }
0x200: {  	_ =	sdelay $0x2  }
0x201: {  	s6 =	simm.s32 $0x0;
	s5 =	simm.s32 $0x0  }
.LBB2_7:
0x202: {  	s7 =	sshll.u32 s6, $0x4  }
0x203: {  	v7 =	vld [tilespmem:s7+$0x1E180];
	_ =	sdelay $0x2  }
0x204: {  	v6 =	vld [tilespmem:s7+$0x1EE00]  }
0x205: {  	v9 =	vmov s5  }
0x206: {  	vm2 =	veq.s32 v9, v5;
	v8 =	vshll.u32 v7, $0x2  }
0x207: {  	v7 =	vand.u32 $0x7F, v7;
	v8 =	vand.u32 $0xFFFFFE00, v8  }
0x208: {  	v7 =	vor.u32 v7, v8;
	_ =	sdelay $0x3  }
0x209: {  	s7 =	simm.s32 $0x1;
	v9 =	vld.idx.msk [tilespmem:v6+s23+$0x0], vm2  }
0x20a: {  	vm1 =	vmmov vm2;
	v10 =	vmov s7;
	s7 =	simm.s32 $0x2;
	v8 =	vld.idx.msk [tilespmem:v7+s5+$0x0], $0xffff  }
.LBB2_8:
0x20b: {  	p0 =	sne.s32 s7, $0xF;
	vm2 =	veq.s32 v10, v5;
	_ =	sdelay $0x2  }
.Ltmp7:
0x20c: {  	(pc) =	sbr.rel @p0 .LBB2_8-.Ltmp7, $4  }
0x20d: {  	v9 =	vmax.f32 v9, v8  }
0x20e: {  	[tilespmem:v6+s23+$0x0] =	vst.idx.msk vm1, v9;
	vm1 =	vmmov vm2  }
0x20f: {  	v9 =	vld.idx.msk [tilespmem:v6+s23+$0x0], vm2  }
0x210: {  	v10 =	vmov s7;
	s7 =	sadd.s32 $0x1, s7  }
0x211: {  	vm2 =	veq.s32 v10, v5;
	_ =	sdelay $0x3  }
0x212: {  	v9 =	vmax.f32 v9, v8  }
0x213: {  	[tilespmem:v6+s23+$0x0] =	vst.idx.msk vm1, v9  }
0x214: {  	s7 =	simm.s32 $0x0;
	vm1 =	vmmov vm2;
	v9 =	vld.idx.msk [tilespmem:v6+s23+$0x0], vm2  }
0x215: {  	v10 =	vmov s7  }
0x216: {  	vm2 =	veq.s32 v10, v5;
	v10 =	vor.u32 $0x80, v7;
	_ =	sdelay $0x2  }
0x217: {  	v8 =	vmax.f32 v9, v8  }
0x218: {  	[tilespmem:v6+s23+$0x0] =	vst.idx.msk vm1, v8  }
0x219: {  	v8 =	vld.idx.msk [tilespmem:v10+s7+$0x0], $0xffff;
	s7 =	simm.s32 $0x1  }
0x21a: {  	vm1 =	vmmov vm2;
	v9 =	vld.idx.msk [tilespmem:v6+s25+$0x0], vm2;
	v10 =	vmov s7;
	s7 =	simm.s32 $0x2  }
.LBB2_10:
0x21b: {  	p0 =	sne.s32 s7, $0xF;
	vm2 =	veq.s32 v10, v5;
	_ =	sdelay $0x2  }
.Ltmp8:
0x21c: {  	(pc) =	sbr.rel @p0 .LBB2_10-.Ltmp8, $4  }
0x21d: {  	v9 =	vmax.f32 v9, v8  }
0x21e: {  	[tilespmem:v6+s25+$0x0] =	vst.idx.msk vm1, v9;
	vm1 =	vmmov vm2  }
0x21f: {  	v9 =	vld.idx.msk [tilespmem:v6+s25+$0x0], vm2  }
0x220: {  	v10 =	vmov s7;
	s7 =	sadd.s32 $0x1, s7  }
0x221: {  	vm2 =	veq.s32 v10, v5;
	_ =	sdelay $0x3  }
0x222: {  	v9 =	vmax.f32 v9, v8  }
0x223: {  	[tilespmem:v6+s25+$0x0] =	vst.idx.msk vm1, v9  }
0x224: {  	s7 =	simm.s32 $0x0;
	vm1 =	vmmov vm2;
	v9 =	vld.idx.msk [tilespmem:v6+s25+$0x0], vm2  }
0x225: {  	v10 =	vmov s7  }
0x226: {  	vm2 =	veq.s32 v10, v5;
	v10 =	vor.u32 $0x100, v7;
	_ =	sdelay $0x2  }
0x227: {  	v8 =	vmax.f32 v9, v8  }
0x228: {  	[tilespmem:v6+s25+$0x0] =	vst.idx.msk vm1, v8  }
0x229: {  	v8 =	vld.idx.msk [tilespmem:v10+s7+$0x0], $0xffff;
	s7 =	simm.s32 $0x1  }
0x22a: {  	vm1 =	vmmov vm2;
	v9 =	vld.idx.msk [tilespmem:v6+s28+$0x0], vm2;
	v10 =	vmov s7;
	s7 =	simm.s32 $0x2  }
.LBB2_12:
0x22b: {  	p0 =	sne.s32 s7, $0xF;
	vm2 =	veq.s32 v10, v5;
	_ =	sdelay $0x2  }
.Ltmp9:
0x22c: {  	(pc) =	sbr.rel @p0 .LBB2_12-.Ltmp9, $4  }
0x22d: {  	v9 =	vmax.f32 v9, v8  }
0x22e: {  	[tilespmem:v6+s28+$0x0] =	vst.idx.msk vm1, v9;
	vm1 =	vmmov vm2  }
0x22f: {  	v9 =	vld.idx.msk [tilespmem:v6+s28+$0x0], vm2  }
0x230: {  	v10 =	vmov s7;
	s7 =	sadd.s32 $0x1, s7  }
0x231: {  	vm2 =	veq.s32 v10, v5;
	_ =	sdelay $0x3  }
0x232: {  	v9 =	vmax.f32 v9, v8  }
0x233: {  	[tilespmem:v6+s28+$0x0] =	vst.idx.msk vm1, v9  }
0x234: {  	s7 =	simm.s32 $0x0;
	vm1 =	vmmov vm2;
	v9 =	vld.idx.msk [tilespmem:v6+s28+$0x0], vm2  }
0x235: {  	v10 =	vmov s7  }
0x236: {  	v7 =	vor.u32 $0x180, v7;
	vm2 =	veq.s32 v10, v5;
	_ =	sdelay $0x2  }
0x237: {  	v8 =	vmax.f32 v9, v8  }
0x238: {  	[tilespmem:v6+s28+$0x0] =	vst.idx.msk vm1, v8  }
0x239: {  	v7 =	vld.idx.msk [tilespmem:v7+s7+$0x0], $0xffff;
	s7 =	simm.s32 $0x1  }
0x23a: {  	vm1 =	vmmov vm2;
	v8 =	vld.idx.msk [tilespmem:v6+s30+$0x0], vm2;
	v9 =	vmov s7;
	s7 =	simm.s32 $0x2  }
.LBB2_14:
0x23b: {  	p0 =	sne.s32 s7, $0xF;
	vm2 =	veq.s32 v9, v5;
	_ =	sdelay $0x2  }
.Ltmp10:
0x23c: {  	(pc) =	sbr.rel @p0 .LBB2_14-.Ltmp10, $4  }
0x23d: {  	v8 =	vmax.f32 v8, v7  }
0x23e: {  	[tilespmem:v6+s30+$0x0] =	vst.idx.msk vm1, v8;
	vm1 =	vmmov vm2  }
0x23f: {  	v8 =	vld.idx.msk [tilespmem:v6+s30+$0x0], vm2  }
0x240: {  	v9 =	vmov s7;
	s7 =	sadd.s32 $0x1, s7  }
0x241: {  	vm2 =	veq.s32 v9, v5;
	_ =	sdelay $0x3  }
0x242: {  	v8 =	vmax.f32 v8, v7  }
0x243: {  	[tilespmem:v6+s30+$0x0] =	vst.idx.msk vm1, v8  }
0x244: {  	s6 =	sadd.s32 $0x1, s6;
	v8 =	vld.idx.msk [tilespmem:v6+s30+$0x0], vm2  }
0x245: {  	p0 =	sne.s32 s6, $0xC8  }
.Ltmp11:
0x246: {  	_ = 	snop;
	(pc) =	sbr.rel @p0 .LBB2_7-.Ltmp11, $4  }
.Ltmp12:
0x247: {  	_ = 	snop;
	(pc) =	sbr.rel @!p0 .LBB2_16-.Ltmp12, $4  }
0x248: {  	_ = 	snop  }
0x249: {  	v7 =	vmax.f32 v8, v7  }
0x24a: {  	vm1 =	vmmov vm2;
	[tilespmem:v6+s30+$0x0] =	vst.idx.msk vm2, v7  }
0x24b: {  	_ = 	snop  }
.LBB2_18:
0x24c: {  	_ =	sfence.sel $0x180000  }
0x24d: {  	[bflag:$0x0] =	sbarrier.arrive $0xFFFF  }
0x24e: {  	_ =	strace $0x90000047  }
0x24f: {  	s0 =	stileid.u32;
	[bflag:$0x2] =	sbarrier.arrive $0xFFFF  }
0x250: {  	p0 =	sne.s32 s0, $0x0;
	s0 =	rddreg [dreg:$0x6]  }
0x251: {  	s0 =	sadd.s32 @!p0 $0x100000, s0  }
0x252: {  	[sflag:s0] =	ssyncadd.tile.s32 @!p0 $0x1;
	_ =	shalt  }
.Lfunc_end2:
_tile_overlayer_lowered:
.L_overlay_start_2:
0x253: {  	(tag) =	ssettag $0x2  }
0x254: {  	s0 =	rddreg [dreg:$0x0];
	s2 =	stileid.u32  }
0x255: {  	s1 =	rddreg [dreg:$0x1];
	p0 =	sne.s32 s2, $0x0  }
0x256: {  	s3 =	rddreg [dreg:$0x2];
	[bflag:$0x3] =	sbarrier.arrive $0xFFFF;
	s2 =	simm.s32 @!p0 $0x1C01  }
0x257: {  	[timem:s3], [sflag:s2] =	dma.local @!p0 [hbm:s0], s1  }
0x258: {  	s0 =	simm.s32 @!p0 $0x1  }
0x259: {  	_ =	swait.ge @!p0 [sflag:s0], s1  }
0x25a: {  	s1 =	ssub.s32 @!p0 $0x0, s1;
	[sflag:s0] =	ssyncset.done @!p0 $0x0  }
0x25b: {  	[sflag:s0] =	ssyncadd.s32 @!p0 s1  }
0x25c: {  	[bflag:$0x3] =	sbarrier.arrive $0xFFFF  }
0x25d: {  	_ =	shalt  }

</sc_bundles>
